<compile_context>
chip_gen: v7x
topology: tpu7x:2x2x1
jax: 0.10.2.dev20260603
libtpu: 0.0.44.dev20260713+nightly
codegen_flags: <defaults>
</compile_context>

<pallas_src>
import functools

import jax
import jax.numpy as jnp
from jax import lax
from jax.experimental import pallas as pl
from jax.experimental.pallas import tpu as pltpu
from jax.experimental.pallas import tpu_sc as plsc

D_MODEL = 128
MAX_LEN = 200
VOCAB = 1000
START_TOKEN = 997
LANES = 16
NBUF = 3


def _positional_encoding():
    even_i = jnp.arange(0, D_MODEL, 2).astype(jnp.float32)
    denominator = jnp.power(10000.0, even_i / D_MODEL)
    position = jnp.arange(MAX_LEN, dtype=jnp.float32).reshape(MAX_LEN, 1)
    even_pe = jnp.sin(position / denominator)
    odd_pe = jnp.cos(position / denominator)
    return jnp.stack([even_pe, odd_pe], axis=2).reshape(MAX_LEN, D_MODEL)


@functools.lru_cache(maxsize=None)
def _make_sc_kernel(B: int, V: int = VOCAB):
    info = plsc.get_sparse_core_info()
    NC, NS = info.num_cores, info.num_subcores
    NW = NC * NS
    assert B % NW == 0
    s_per_w = B // NW
    n_outer = -(-(s_per_w + 1) // NBUF)

    mesh = plsc.VectorSubcoreMesh(core_axis_name="c", subcore_axis_name="s")

    @functools.partial(
        pl.kernel,
        mesh=mesh,
        out_type=jax.ShapeDtypeStruct((B * MAX_LEN, D_MODEL), jnp.float32),
        scratch_types=[
            pltpu.VMEM((MAX_LEN, D_MODEL), jnp.float32),
            pltpu.VMEM((MAX_LEN, D_MODEL), jnp.float32),
            pltpu.VMEM((MAX_LEN, D_MODEL), jnp.float32),
            pltpu.VMEM((MAX_LEN, D_MODEL), jnp.float32),
            pltpu.VMEM((MAX_LEN,), jnp.int32),
            pltpu.VMEM((MAX_LEN,), jnp.int32),
            pltpu.VMEM((MAX_LEN,), jnp.int32),
            pltpu.VMEM_SHARED((V, D_MODEL), jnp.float32),
            pltpu.SemaphoreType.DMA,
            pltpu.SemaphoreType.DMA,
            pltpu.SemaphoreType.DMA,
            pltpu.SemaphoreType.DMA,
            pltpu.SemaphoreType.DMA,
            pltpu.SemaphoreType.DMA,
            pltpu.SemaphoreType.DMA,
            pltpu.SemaphoreType.DMA,
            pltpu.SemaphoreType.DMA,
        ],
    )
    def sc_embed(tok_hbm, table_hbm, pe_hbm, out_hbm,
                 pe_v, buf0, buf1, buf2, ib0, ib1, ib2, tab_s,
                 sg0, sg1, sg2, so0, so1, so2, si0, si1, si2):
        wid = lax.axis_index("s") * NC + lax.axis_index("c")
        wbase = wid * s_per_w * MAX_LEN
        bufs = (buf0, buf1, buf2)
        ibufs = (ib0, ib1, ib2)
        gsems = (sg0, sg1, sg2)
        osems = (so0, so1, so2)
        isems = (si0, si1, si2)

        @pl.when(lax.axis_index("s") == 0)
        def _():
            pltpu.sync_copy(table_hbm, tab_s)
        pltpu.sync_copy(pe_hbm, pe_v)
        plsc.subcore_barrier()

        def idx_fetch(j, k):
            pltpu.async_copy(
                tok_hbm.at[pl.ds(wbase + j * MAX_LEN, MAX_LEN)], ibufs[k], isems[k])

        def idx_wait(k):
            pltpu.make_async_copy(
                tok_hbm.at[pl.ds(wbase, MAX_LEN)], ibufs[k], isems[k]).wait()

        def gather(k):
            pltpu.async_copy(tab_s.at[ibufs[k]], bufs[k], gsems[k])

        def gather_wait(k):
            pltpu.make_async_copy(tab_s.at[ibufs[k]], bufs[k], gsems[k]).wait()

        def out_copy(j, k):
            pltpu.async_copy(
                bufs[k], out_hbm.at[pl.ds(wbase + j * MAX_LEN, MAX_LEN)], osems[k])

        def out_wait(k):
            pltpu.make_async_copy(
                bufs[k], out_hbm.at[pl.ds(wbase, MAX_LEN)], osems[k]).wait()

        def add_pe(k):
            def add_rows(t4, c2):
                for dt in range(4):
                    t = t4 * 4 + dt
                    for c in range(D_MODEL // LANES):
                        sl = pl.ds(c * LANES, LANES)
                        plsc.addupdate(bufs[k].at[t, sl], pe_v[t, sl])
                return c2
            lax.fori_loop(0, MAX_LEN // 4, add_rows, 0)

        idx_fetch(0, 0)
        idx_fetch(1, 1)
        idx_fetch(2, 2)
        idx_wait(0)
        gather(0)
        idx_wait(1)
        gather(1)

        def body(g, carry):
            for b in range(NBUF):
                j = NBUF * g + b

                @pl.when(j < s_per_w)
                def _():
                    gather_wait(b)

                @pl.when(j + 3 < s_per_w)
                def _():
                    idx_fetch(j + 3, b)

                @pl.when(j < s_per_w)
                def _():
                    add_pe(b)

                @pl.when((j >= 1) & (j < s_per_w + 1))
                def _():
                    out_wait((b + 2) % NBUF)

                @pl.when(j + 2 < s_per_w)
                def _():
                    idx_wait((b + 2) % NBUF)
                    gather((b + 2) % NBUF)

                @pl.when(j < s_per_w)
                def _():
                    out_copy(j, b)
            return carry

        lax.fori_loop(0, n_outer, body, 0)

    return sc_embed


def kernel(x, table):
    B = x.shape[0]
    start_col = jnp.full((B, 1), START_TOKEN, dtype=x.dtype)
    tok = jnp.concatenate([start_col, x[:, : MAX_LEN - 1]], axis=1).reshape(-1)
    pe = _positional_encoding()
    out = _make_sc_kernel(B, table.shape[0])(tok, table, pe)
    return out.reshape(B, MAX_LEN, D_MODEL)

# --- scband reference (transcript-rebuilt; emitter-appended) ---
"""Pipeline reference for scband-sentence-embedding-68831145886153 (READ-ONLY COPY).

The authoritative reference and input builder live on the scoring server;
editing this copy changes nothing except your own understanding.
"""

import jax, jax.numpy as jnp
import numpy as np

D_MODEL = 128
MAX_LEN = 200
VOCAB = 1000
START_TOKEN = 997


def positional_encoding(d_model, max_len):
    # Faithful translation of PositionalEncoding.forward
    even_i = jnp.arange(0, d_model, 2).astype(jnp.float32)
    denominator = jnp.power(10000.0, even_i / d_model)
    position = jnp.arange(max_len, dtype=jnp.float32).reshape(max_len, 1)
    even_pe = jnp.sin(position / denominator)
    odd_pe = jnp.cos(position / denominator)
    stacked = jnp.stack([even_pe, odd_pe], axis=2)
    return stacked.reshape(max_len, d_model)


def setup_inputs(seed: int = 0):
    key = jax.random.key(seed)
    k1, k2 = jax.random.split(key)
    # pre-tokenized sentences: integer token ids in [0, 997)
    x = jax.random.randint(k1, (4096, 200), 0, 997, dtype=jnp.int32)
    # learned embedding table sized per init_kwargs (vocab=1000, d_model=128)
    table = jax.random.normal(k2, (VOCAB, D_MODEL), dtype=jnp.float32)
    return {"x": x, "table": table}


def reference(x, table):
    # batch_tokenize with start_token=True: each length-200 sentence becomes
    # [START] + tokens + [END] (len 202) and is truncated back to max_len=200,
    # i.e. [START, x[0], ..., x[198]].
    B = x.shape[0]
    start_col = jnp.full((B, 1), START_TOKEN, dtype=x.dtype)
    tok = jnp.concatenate([start_col, x[:, : MAX_LEN - 1]], axis=1)
    # embedding lookup (SparseCore gather)
    emb = jnp.take(table, tok, axis=0)
    pe = positional_encoding(D_MODEL, MAX_LEN)
    out = emb + pe[None, :, :]
    # dropout(p=0.1) in eval mode is identity
    return out

if __name__ == "__main__":
    import jax
    _d = setup_inputs()
    print(jax.jit(kernel)(*tuple(_d.values())))

</pallas_src>

<mosaic_0001>
#map = affine_map<(d0, d1) -> (0)>
#map1 = affine_map<(d0, d1) -> (0, 0)>
module attributes {stable_mosaic.version = 14 : i64} {
  func.func @sc_embed(%arg0: i32, %arg1: i32, %arg2: memref<819200xi32, #tpu.memory_space<hbm>>, %arg3: memref<1000x128xf32, #tpu.memory_space<hbm>>, %arg4: memref<200x128xf32, #tpu.memory_space<hbm>>, %arg5: memref<819200x128xf32, #tpu.memory_space<hbm>>, %arg6: memref<200x128xf32, #tpu.memory_space<vmem>>, %arg7: memref<200x128xf32, #tpu.memory_space<vmem>>, %arg8: memref<200x128xf32, #tpu.memory_space<vmem>>, %arg9: memref<200x128xf32, #tpu.memory_space<vmem>>, %arg10: memref<200xi32, #tpu.memory_space<vmem>>, %arg11: memref<200xi32, #tpu.memory_space<vmem>>, %arg12: memref<200xi32, #tpu.memory_space<vmem>>, %arg13: memref<1000x128xf32, #tpu.memory_space<vmem_shared>>, %arg14: memref<!tpu.dma_semaphore, #tpu.memory_space<semaphore_mem>>, %arg15: memref<!tpu.dma_semaphore, #tpu.memory_space<semaphore_mem>>, %arg16: memref<!tpu.dma_semaphore, #tpu.memory_space<semaphore_mem>>, %arg17: memref<!tpu.dma_semaphore, #tpu.memory_space<semaphore_mem>>, %arg18: memref<!tpu.dma_semaphore, #tpu.memory_space<semaphore_mem>>, %arg19: memref<!tpu.dma_semaphore, #tpu.memory_space<semaphore_mem>>, %arg20: memref<!tpu.dma_semaphore, #tpu.memory_space<semaphore_mem>>, %arg21: memref<!tpu.dma_semaphore, #tpu.memory_space<semaphore_mem>>, %arg22: memref<!tpu.dma_semaphore, #tpu.memory_space<semaphore_mem>>) attributes {dimension_semantics = [#tpu.dimension_semantics<core_parallel>, #tpu.dimension_semantics<subcore_parallel>], iteration_bounds = array<i64: 2, 16>, scalar_prefetch = 0 : i64, scratch_operands = 17 : i64, tpu.core_type = #tpu.core_type<sc_vector_subcore>, window_params = [{transform_indices = #map}, {transform_indices = #map1}, {transform_indices = #map1}, {transform_indices = #map1}]} {
    %mul3A = arith.constant 2 : i32
    %mul3A_0 = arith.muli %arg1, %mul3A : i32
    %add3A = arith.addi %mul3A_0, %arg0 : i32
    %mul3A_1 = arith.constant 128 : i32
    %mul3A_2 = arith.muli %add3A, %mul3A_1 : i32
    %mul3A_3 = arith.constant 200 : i32
    %mul3A_4 = arith.muli %mul3A_2, %mul3A_3 : i32
    %eq3A = arith.constant 0 : i32
    %eq3A_5 = arith.cmpi eq, %arg1, %eq3A : i32
    %convert_element_type3A = arith.extui %eq3A_5 : i1 to i32
    %cond3A = arith.constant 0 : i32
    %cond3A_6 = arith.cmpi ne, %convert_element_type3A, %cond3A : i32
    scf.if %cond3A_6 {
      "tpu.region"() ({
        %run_scoped3A = tpu.sem_alloc : memref<!tpu.dma_semaphore, #tpu.memory_space<semaphore_mem>>
        tpu.enqueue_dma source(%arg3 : memref<1000x128xf32, #tpu.memory_space<hbm>>) target(%arg13 : memref<1000x128xf32, #tpu.memory_space<vmem_shared>>) target_semaphore(%run_scoped3A : memref<!tpu.dma_semaphore, #tpu.memory_space<semaphore_mem>>)
        tpu.wait_dma2 semaphore(%run_scoped3A : memref<!tpu.dma_semaphore, #tpu.memory_space<semaphore_mem>>) src(%arg3 : memref<1000x128xf32, #tpu.memory_space<hbm>>) dst(%arg13 : memref<1000x128xf32, #tpu.memory_space<vmem_shared>>)
        tpu.yield
      }) : () -> ()
    } else {
    }
    "tpu.region"() ({
      %run_scoped3A = tpu.sem_alloc : memref<!tpu.dma_semaphore, #tpu.memory_space<semaphore_mem>>
      tpu.enqueue_dma source(%arg4 : memref<200x128xf32, #tpu.memory_space<hbm>>) target(%arg6 : memref<200x128xf32, #tpu.memory_space<vmem>>) target_semaphore(%run_scoped3A : memref<!tpu.dma_semaphore, #tpu.memory_space<semaphore_mem>>)
      tpu.wait_dma2 semaphore(%run_scoped3A : memref<!tpu.dma_semaphore, #tpu.memory_space<semaphore_mem>>) src(%arg4 : memref<200x128xf32, #tpu.memory_space<hbm>>) dst(%arg6 : memref<200x128xf32, #tpu.memory_space<vmem>>)
      tpu.yield
    }) : () -> ()
    %barrier3A = arith.constant 0 : index
    tpu.barrier barrier_id(%barrier3A)
    %add3A_7 = arith.constant 0 : i32
    %add3A_8 = arith.addi %mul3A_4, %add3A_7 : i32
    %dma_start3A = tpu.memref_slice %arg2[%add3A_8] : memref<819200xi32, #tpu.memory_space<hbm>> -> memref<200xi32, #tpu.memory_space<hbm>>
    %dma_start3A_9 = tpu.memref_slice %arg2[%add3A_8] : memref<819200xi32, #tpu.memory_space<hbm>> -> memref<200xi32, #tpu.memory_space<hbm>>
    tpu.enqueue_dma source(%dma_start3A_9 : memref<200xi32, #tpu.memory_space<hbm>>) target(%arg10 : memref<200xi32, #tpu.memory_space<vmem>>) target_semaphore(%arg20 : memref<!tpu.dma_semaphore, #tpu.memory_space<semaphore_mem>>)
    %add3A_10 = arith.constant 200 : i32
    %add3A_11 = arith.addi %mul3A_4, %add3A_10 : i32
    %dma_start3A_12 = tpu.memref_slice %arg2[%add3A_11] : memref<819200xi32, #tpu.memory_space<hbm>> -> memref<200xi32, #tpu.memory_space<hbm>>
    %dma_start3A_13 = tpu.memref_slice %arg2[%add3A_11] : memref<819200xi32, #tpu.memory_space<hbm>> -> memref<200xi32, #tpu.memory_space<hbm>>
    tpu.enqueue_dma source(%dma_start3A_13 : memref<200xi32, #tpu.memory_space<hbm>>) target(%arg11 : memref<200xi32, #tpu.memory_space<vmem>>) target_semaphore(%arg21 : memref<!tpu.dma_semaphore, #tpu.memory_space<semaphore_mem>>)
    %add3A_14 = arith.constant 400 : i32
    %add3A_15 = arith.addi %mul3A_4, %add3A_14 : i32
    %dma_start3A_16 = tpu.memref_slice %arg2[%add3A_15] : memref<819200xi32, #tpu.memory_space<hbm>> -> memref<200xi32, #tpu.memory_space<hbm>>
    %dma_start3A_17 = tpu.memref_slice %arg2[%add3A_15] : memref<819200xi32, #tpu.memory_space<hbm>> -> memref<200xi32, #tpu.memory_space<hbm>>
    tpu.enqueue_dma source(%dma_start3A_17 : memref<200xi32, #tpu.memory_space<hbm>>) target(%arg12 : memref<200xi32, #tpu.memory_space<vmem>>) target_semaphore(%arg22 : memref<!tpu.dma_semaphore, #tpu.memory_space<semaphore_mem>>)
    %dma_wait3A = tpu.memref_slice %arg2[%mul3A_4] : memref<819200xi32, #tpu.memory_space<hbm>> -> memref<200xi32, #tpu.memory_space<hbm>>
    %dma_wait3A_18 = tpu.memref_slice %arg2[%mul3A_4] : memref<819200xi32, #tpu.memory_space<hbm>> -> memref<200xi32, #tpu.memory_space<hbm>>
    tpu.wait_dma2 semaphore(%arg20 : memref<!tpu.dma_semaphore, #tpu.memory_space<semaphore_mem>>) src(%dma_wait3A_18 : memref<200xi32, #tpu.memory_space<hbm>>) dst(%arg10 : memref<200xi32, #tpu.memory_space<vmem>>)
    %dma_start3A_19 = arith.constant 0 : i32
    %dma_start3A_20 = arith.constant 0 : i32
    %dma_start3A_21 = tpu.memref_slice %arg13[%dma_start3A_19, %dma_start3A_20] : memref<1000x128xf32, #tpu.memory_space<vmem_shared>> -> memref<1000x128xf32, #tpu.memory_space<vmem_shared>>
    tpu.enqueue_indirect_dma source(%dma_start3A_21 : memref<1000x128xf32, #tpu.memory_space<vmem_shared>>) target(%arg7 : memref<200x128xf32, #tpu.memory_space<vmem>>) offsets(%arg10 : memref<200xi32, #tpu.memory_space<vmem>>) semaphore(%arg14 : memref<!tpu.dma_semaphore, #tpu.memory_space<semaphore_mem>>)
    %dma_wait3A_22 = tpu.memref_slice %arg2[%mul3A_4] : memref<819200xi32, #tpu.memory_space<hbm>> -> memref<200xi32, #tpu.memory_space<hbm>>
    %dma_wait3A_23 = tpu.memref_slice %arg2[%mul3A_4] : memref<819200xi32, #tpu.memory_space<hbm>> -> memref<200xi32, #tpu.memory_space<hbm>>
    tpu.wait_dma2 semaphore(%arg21 : memref<!tpu.dma_semaphore, #tpu.memory_space<semaphore_mem>>) src(%dma_wait3A_23 : memref<200xi32, #tpu.memory_space<hbm>>) dst(%arg11 : memref<200xi32, #tpu.memory_space<vmem>>)
    %dma_start3A_24 = arith.constant 0 : i32
    %dma_start3A_25 = arith.constant 0 : i32
    %dma_start3A_26 = tpu.memref_slice %arg13[%dma_start3A_24, %dma_start3A_25] : memref<1000x128xf32, #tpu.memory_space<vmem_shared>> -> memref<1000x128xf32, #tpu.memory_space<vmem_shared>>
    tpu.enqueue_indirect_dma source(%dma_start3A_26 : memref<1000x128xf32, #tpu.memory_space<vmem_shared>>) target(%arg8 : memref<200x128xf32, #tpu.memory_space<vmem>>) offsets(%arg11 : memref<200xi32, #tpu.memory_space<vmem>>) semaphore(%arg15 : memref<!tpu.dma_semaphore, #tpu.memory_space<semaphore_mem>>)
    %scan3A = arith.constant 0 : i32
    %scan3A_27 = arith.constant 0 : i32
    %scan3A_28 = arith.constant 43 : i32
    %scan3A_29 = arith.addi %scan3A_27, %scan3A_28 : i32
    %scan3A_30 = arith.constant 1 : i32
    scf.for %scan3A_32 = %scan3A_27 to %scan3A_29 step %scan3A_30  : i32 {
      %mul3A_33 = arith.constant 3 : i32
      %mul3A_34 = arith.muli %mul3A_33, %scan3A_32 : i32
      %add3A_35 = arith.constant 0 : i32
      %add3A_36 = arith.addi %mul3A_34, %add3A_35 : i32
      %lt3A = arith.constant 128 : i32
      %lt3A_37 = arith.cmpi slt, %add3A_36, %lt3A : i32
      %convert_element_type3A_38 = arith.extui %lt3A_37 : i1 to i32
      %cond3A_39 = arith.constant 0 : i32
      %cond3A_40 = arith.cmpi ne, %convert_element_type3A_38, %cond3A_39 : i32
      scf.if %cond3A_40 {
        %dma_wait3A_153 = arith.constant 0 : i32
        %dma_wait3A_154 = arith.constant 0 : i32
        %dma_wait3A_155 = tpu.memref_slice %arg13[%dma_wait3A_153, %dma_wait3A_154] : memref<1000x128xf32, #tpu.memory_space<vmem_shared>> -> memref<1000x128xf32, #tpu.memory_space<vmem_shared>>
        tpu.wait_indirect_dma semaphore(%arg14 : memref<!tpu.dma_semaphore, #tpu.memory_space<semaphore_mem>>) src(%dma_wait3A_155 : memref<1000x128xf32, #tpu.memory_space<vmem_shared>>) dst(%arg7 : memref<200x128xf32, #tpu.memory_space<vmem>>)
      } else {
      }
      %add3A_41 = arith.constant 3 : i32
      %add3A_42 = arith.addi %add3A_36, %add3A_41 : i32
      %lt3A_43 = arith.constant 128 : i32
      %lt3A_44 = arith.cmpi slt, %add3A_42, %lt3A_43 : i32
      %convert_element_type3A_45 = arith.extui %lt3A_44 : i1 to i32
      %cond3A_46 = arith.constant 0 : i32
      %cond3A_47 = arith.cmpi ne, %convert_element_type3A_45, %cond3A_46 : i32
      scf.if %cond3A_47 {
        %add3A_153 = arith.constant 3 : i32
        %add3A_154 = arith.addi %add3A_36, %add3A_153 : i32
        %mul3A_155 = arith.constant 200 : i32
        %mul3A_156 = arith.muli %add3A_154, %mul3A_155 : i32
        %add3A_157 = arith.addi %mul3A_4, %mul3A_156 : i32
        %dma_start3A_158 = tpu.memref_slice %arg2[%add3A_157] : memref<819200xi32, #tpu.memory_space<hbm>> -> memref<200xi32, #tpu.memory_space<hbm>>
        %dma_start3A_159 = tpu.memref_slice %arg2[%add3A_157] : memref<819200xi32, #tpu.memory_space<hbm>> -> memref<200xi32, #tpu.memory_space<hbm>>
        tpu.enqueue_dma source(%dma_start3A_159 : memref<200xi32, #tpu.memory_space<hbm>>) target(%arg10 : memref<200xi32, #tpu.memory_space<vmem>>) target_semaphore(%arg20 : memref<!tpu.dma_semaphore, #tpu.memory_space<semaphore_mem>>)
      } else {
      }
      %lt3A_48 = arith.constant 128 : i32
      %lt3A_49 = arith.cmpi slt, %add3A_36, %lt3A_48 : i32
      %convert_element_type3A_50 = arith.extui %lt3A_49 : i1 to i32
      %cond3A_51 = arith.constant 0 : i32
      %cond3A_52 = arith.cmpi ne, %convert_element_type3A_50, %cond3A_51 : i32
      scf.if %cond3A_52 {
        %scan3A_153 = arith.constant 0 : i32
        %scan3A_154 = arith.constant 0 : i32
        %scan3A_155 = arith.constant 50 : i32
        %scan3A_156 = arith.addi %scan3A_154, %scan3A_155 : i32
        %scan3A_157 = arith.constant 1 : i32
        scf.for %scan3A_159 = %scan3A_154 to %scan3A_156 step %scan3A_157  : i32 {
          %mul3A_160 = arith.constant 4 : i32
          %mul3A_161 = arith.muli %scan3A_159, %mul3A_160 : i32
          %add3A_162 = arith.constant 0 : i32
          %add3A_163 = arith.addi %mul3A_161, %add3A_162 : i32
          %get3A = arith.index_cast %add3A_163 : i32 to index
          %get3A_164 = arith.constant 0 : index
          %get3A_165 = tpu.vector_load %arg6[%get3A, %get3A_164] {strides = array<i32>} : memref<200x128xf32, #tpu.memory_space<vmem>>, vector<1x16xf32>,
          %get3A_166 = vector.shape_cast %get3A_165 : vector<1x16xf32> to vector<16xf32>
          %swap3A = arith.index_cast %add3A_163 : i32 to index
          %swap3A_167 = arith.constant 0 : index
          %swap3A_168 = tpu.vector_load %arg7[%swap3A, %swap3A_167] {strides = array<i32>} : memref<200x128xf32, #tpu.memory_space<vmem>>, vector<1x16xf32>,
          %swap3A_169 = vector.shape_cast %swap3A_168 : vector<1x16xf32> to vector<16xf32>
          %swap3A_170 = vector.shape_cast %get3A_166 : vector<16xf32> to vector<1x16xf32>
          tpu.vector_store %arg7[%swap3A, %swap3A_167], %swap3A_170 {add = true, strides = array<i32>} : memref<200x128xf32, #tpu.memory_space<vmem>>, vector<1x16xf32>,
          %get3A_171 = arith.index_cast %add3A_163 : i32 to index
          %get3A_172 = arith.constant 16 : index
          %get3A_173 = tpu.vector_load %arg6[%get3A_171, %get3A_172] {strides = array<i32>} : memref<200x128xf32, #tpu.memory_space<vmem>>, vector<1x16xf32>,
          %get3A_174 = vector.shape_cast %get3A_173 : vector<1x16xf32> to vector<16xf32>
          %swap3A_175 = arith.index_cast %add3A_163 : i32 to index
          %swap3A_176 = arith.constant 16 : index
          %swap3A_177 = tpu.vector_load %arg7[%swap3A_175, %swap3A_176] {strides = array<i32>} : memref<200x128xf32, #tpu.memory_space<vmem>>, vector<1x16xf32>,
          %swap3A_178 = vector.shape_cast %swap3A_177 : vector<1x16xf32> to vector<16xf32>
          %swap3A_179 = vector.shape_cast %get3A_174 : vector<16xf32> to vector<1x16xf32>
          tpu.vector_store %arg7[%swap3A_175, %swap3A_176], %swap3A_179 {add = true, strides = array<i32>} : memref<200x128xf32, #tpu.memory_space<vmem>>, vector<1x16xf32>,
          %get3A_180 = arith.index_cast %add3A_163 : i32 to index
          %get3A_181 = arith.constant 32 : index
          %get3A_182 = tpu.vector_load %arg6[%get3A_180, %get3A_181] {strides = array<i32>} : memref<200x128xf32, #tpu.memory_space<vmem>>, vector<1x16xf32>,
          %get3A_183 = vector.shape_cast %get3A_182 : vector<1x16xf32> to vector<16xf32>
          %swap3A_184 = arith.index_cast %add3A_163 : i32 to index
          %swap3A_185 = arith.constant 32 : index
          %swap3A_186 = tpu.vector_load %arg7[%swap3A_184, %swap3A_185] {strides = array<i32>} : memref<200x128xf32, #tpu.memory_space<vmem>>, vector<1x16xf32>,
          %swap3A_187 = vector.shape_cast %swap3A_186 : vector<1x16xf32> to vector<16xf32>
          %swap3A_188 = vector.shape_cast %get3A_183 : vector<16xf32> to vector<1x16xf32>
          tpu.vector_store %arg7[%swap3A_184, %swap3A_185], %swap3A_188 {add = true, strides = array<i32>} : memref<200x128xf32, #tpu.memory_space<vmem>>, vector<1x16xf32>,
          %get3A_189 = arith.index_cast %add3A_163 : i32 to index
          %get3A_190 = arith.constant 48 : index
          %get3A_191 = tpu.vector_load %arg6[%get3A_189, %get3A_190] {strides = array<i32>} : memref<200x128xf32, #tpu.memory_space<vmem>>, vector<1x16xf32>,
          %get3A_192 = vector.shape_cast %get3A_191 : vector<1x16xf32> to vector<16xf32>
          %swap3A_193 = arith.index_cast %add3A_163 : i32 to index
          %swap3A_194 = arith.constant 48 : index
          %swap3A_195 = tpu.vector_load %arg7[%swap3A_193, %swap3A_194] {strides = array<i32>} : memref<200x128xf32, #tpu.memory_space<vmem>>, vector<1x16xf32>,
          %swap3A_196 = vector.shape_cast %swap3A_195 : vector<1x16xf32> to vector<16xf32>
          %swap3A_197 = vector.shape_cast %get3A_192 : vector<16xf32> to vector<1x16xf32>
          tpu.vector_store %arg7[%swap3A_193, %swap3A_194], %swap3A_197 {add = true, strides = array<i32>} : memref<200x128xf32, #tpu.memory_space<vmem>>, vector<1x16xf32>,
          %get3A_198 = arith.index_cast %add3A_163 : i32 to index
          %get3A_199 = arith.constant 64 : index
          %get3A_200 = tpu.vector_load %arg6[%get3A_198, %get3A_199] {strides = array<i32>} : memref<200x128xf32, #tpu.memory_space<vmem>>, vector<1x16xf32>,
          %get3A_201 = vector.shape_cast %get3A_200 : vector<1x16xf32> to vector<16xf32>
          %swap3A_202 = arith.index_cast %add3A_163 : i32 to index
          %swap3A_203 = arith.constant 64 : index
          %swap3A_204 = tpu.vector_load %arg7[%swap3A_202, %swap3A_203] {strides = array<i32>} : memref<200x128xf32, #tpu.memory_space<vmem>>, vector<1x16xf32>,
          %swap3A_205 = vector.shape_cast %swap3A_204 : vector<1x16xf32> to vector<16xf32>
          %swap3A_206 = vector.shape_cast %get3A_201 : vector<16xf32> to vector<1x16xf32>
          tpu.vector_store %arg7[%swap3A_202, %swap3A_203], %swap3A_206 {add = true, strides = array<i32>} : memref<200x128xf32, #tpu.memory_space<vmem>>, vector<1x16xf32>,
          %get3A_207 = arith.index_cast %add3A_163 : i32 to index
          %get3A_208 = arith.constant 80 : index
          %get3A_209 = tpu.vector_load %arg6[%get3A_207, %get3A_208] {strides = array<i32>} : memref<200x128xf32, #tpu.memory_space<vmem>>, vector<1x16xf32>,
          %get3A_210 = vector.shape_cast %get3A_209 : vector<1x16xf32> to vector<16xf32>
          %swap3A_211 = arith.index_cast %add3A_163 : i32 to index
          %swap3A_212 = arith.constant 80 : index
          %swap3A_213 = tpu.vector_load %arg7[%swap3A_211, %swap3A_212] {strides = array<i32>} : memref<200x128xf32, #tpu.memory_space<vmem>>, vector<1x16xf32>,
          %swap3A_214 = vector.shape_cast %swap3A_213 : vector<1x16xf32> to vector<16xf32>
          %swap3A_215 = vector.shape_cast %get3A_210 : vector<16xf32> to vector<1x16xf32>
          tpu.vector_store %arg7[%swap3A_211, %swap3A_212], %swap3A_215 {add = true, strides = array<i32>} : memref<200x128xf32, #tpu.memory_space<vmem>>, vector<1x16xf32>,
          %get3A_216 = arith.index_cast %add3A_163 : i32 to index
          %get3A_217 = arith.constant 96 : index
          %get3A_218 = tpu.vector_load %arg6[%get3A_216, %get3A_217] {strides = array<i32>} : memref<200x128xf32, #tpu.memory_space<vmem>>, vector<1x16xf32>,
          %get3A_219 = vector.shape_cast %get3A_218 : vector<1x16xf32> to vector<16xf32>
          %swap3A_220 = arith.index_cast %add3A_163 : i32 to index
          %swap3A_221 = arith.constant 96 : index
          %swap3A_222 = tpu.vector_load %arg7[%swap3A_220, %swap3A_221] {strides = array<i32>} : memref<200x128xf32, #tpu.memory_space<vmem>>, vector<1x16xf32>,
          %swap3A_223 = vector.shape_cast %swap3A_222 : vector<1x16xf32> to vector<16xf32>
          %swap3A_224 = vector.shape_cast %get3A_219 : vector<16xf32> to vector<1x16xf32>
          tpu.vector_store %arg7[%swap3A_220, %swap3A_221], %swap3A_224 {add = true, strides = array<i32>} : memref<200x128xf32, #tpu.memory_space<vmem>>, vector<1x16xf32>,
          %get3A_225 = arith.index_cast %add3A_163 : i32 to index
          %get3A_226 = arith.constant 112 : index
          %get3A_227 = tpu.vector_load %arg6[%get3A_225, %get3A_226] {strides = array<i32>} : memref<200x128xf32, #tpu.memory_space<vmem>>, vector<1x16xf32>,
          %get3A_228 = vector.shape_cast %get3A_227 : vector<1x16xf32> to vector<16xf32>
          %swap3A_229 = arith.index_cast %add3A_163 : i32 to index
          %swap3A_230 = arith.constant 112 : index
          %swap3A_231 = tpu.vector_load %arg7[%swap3A_229, %swap3A_230] {strides = array<i32>} : memref<200x128xf32, #tpu.memory_space<vmem>>, vector<1x16xf32>,
          %swap3A_232 = vector.shape_cast %swap3A_231 : vector<1x16xf32> to vector<16xf32>
          %swap3A_233 = vector.shape_cast %get3A_228 : vector<16xf32> to vector<1x16xf32>
          tpu.vector_store %arg7[%swap3A_229, %swap3A_230], %swap3A_233 {add = true, strides = array<i32>} : memref<200x128xf32, #tpu.memory_space<vmem>>, vector<1x16xf32>,
          %mul3A_234 = arith.constant 4 : i32
          %mul3A_235 = arith.muli %scan3A_159, %mul3A_234 : i32
          %add3A_236 = arith.constant 1 : i32
          %add3A_237 = arith.addi %mul3A_235, %add3A_236 : i32
          %get3A_238 = arith.index_cast %add3A_237 : i32 to index
          %get3A_239 = arith.constant 0 : index
          %get3A_240 = tpu.vector_load %arg6[%get3A_238, %get3A_239] {strides = array<i32>} : memref<200x128xf32, #tpu.memory_space<vmem>>, vector<1x16xf32>,
          %get3A_241 = vector.shape_cast %get3A_240 : vector<1x16xf32> to vector<16xf32>
          %swap3A_242 = arith.index_cast %add3A_237 : i32 to index
          %swap3A_243 = arith.constant 0 : index
          %swap3A_244 = tpu.vector_load %arg7[%swap3A_242, %swap3A_243] {strides = array<i32>} : memref<200x128xf32, #tpu.memory_space<vmem>>, vector<1x16xf32>,
          %swap3A_245 = vector.shape_cast %swap3A_244 : vector<1x16xf32> to vector<16xf32>
          %swap3A_246 = vector.shape_cast %get3A_241 : vector<16xf32> to vector<1x16xf32>
          tpu.vector_store %arg7[%swap3A_242, %swap3A_243], %swap3A_246 {add = true, strides = array<i32>} : memref<200x128xf32, #tpu.memory_space<vmem>>, vector<1x16xf32>,
          %get3A_247 = arith.index_cast %add3A_237 : i32 to index
          %get3A_248 = arith.constant 16 : index
          %get3A_249 = tpu.vector_load %arg6[%get3A_247, %get3A_248] {strides = array<i32>} : memref<200x128xf32, #tpu.memory_space<vmem>>, vector<1x16xf32>,
          %get3A_250 = vector.shape_cast %get3A_249 : vector<1x16xf32> to vector<16xf32>
          %swap3A_251 = arith.index_cast %add3A_237 : i32 to index
          %swap3A_252 = arith.constant 16 : index
          %swap3A_253 = tpu.vector_load %arg7[%swap3A_251, %swap3A_252] {strides = array<i32>} : memref<200x128xf32, #tpu.memory_space<vmem>>, vector<1x16xf32>,
          %swap3A_254 = vector.shape_cast %swap3A_253 : vector<1x16xf32> to vector<16xf32>
          %swap3A_255 = vector.shape_cast %get3A_250 : vector<16xf32> to vector<1x16xf32>
          tpu.vector_store %arg7[%swap3A_251, %swap3A_252], %swap3A_255 {add = true, strides = array<i32>} : memref<200x128xf32, #tpu.memory_space<vmem>>, vector<1x16xf32>,
          %get3A_256 = arith.index_cast %add3A_237 : i32 to index
          %get3A_257 = arith.constant 32 : index
          %get3A_258 = tpu.vector_load %arg6[%get3A_256, %get3A_257] {strides = array<i32>} : memref<200x128xf32, #tpu.memory_space<vmem>>, vector<1x16xf32>,
          %get3A_259 = vector.shape_cast %get3A_258 : vector<1x16xf32> to vector<16xf32>
          %swap3A_260 = arith.index_cast %add3A_237 : i32 to index
          %swap3A_261 = arith.constant 32 : index
          %swap3A_262 = tpu.vector_load %arg7[%swap3A_260, %swap3A_261] {strides = array<i32>} : memref<200x128xf32, #tpu.memory_space<vmem>>, vector<1x16xf32>,
          %swap3A_263 = vector.shape_cast %swap3A_262 : vector<1x16xf32> to vector<16xf32>
          %swap3A_264 = vector.shape_cast %get3A_259 : vector<16xf32> to vector<1x16xf32>
          tpu.vector_store %arg7[%swap3A_260, %swap3A_261], %swap3A_264 {add = true, strides = array<i32>} : memref<200x128xf32, #tpu.memory_space<vmem>>, vector<1x16xf32>,
          %get3A_265 = arith.index_cast %add3A_237 : i32 to index
          %get3A_266 = arith.constant 48 : index
          %get3A_267 = tpu.vector_load %arg6[%get3A_265, %get3A_266] {strides = array<i32>} : memref<200x128xf32, #tpu.memory_space<vmem>>, vector<1x16xf32>,
          %get3A_268 = vector.shape_cast %get3A_267 : vector<1x16xf32> to vector<16xf32>
          %swap3A_269 = arith.index_cast %add3A_237 : i32 to index
          %swap3A_270 = arith.constant 48 : index
          %swap3A_271 = tpu.vector_load %arg7[%swap3A_269, %swap3A_270] {strides = array<i32>} : memref<200x128xf32, #tpu.memory_space<vmem>>, vector<1x16xf32>,
          %swap3A_272 = vector.shape_cast %swap3A_271 : vector<1x16xf32> to vector<16xf32>
          %swap3A_273 = vector.shape_cast %get3A_268 : vector<16xf32> to vector<1x16xf32>
          tpu.vector_store %arg7[%swap3A_269, %swap3A_270], %swap3A_273 {add = true, strides = array<i32>} : memref<200x128xf32, #tpu.memory_space<vmem>>, vector<1x16xf32>,
          %get3A_274 = arith.index_cast %add3A_237 : i32 to index
          %get3A_275 = arith.constant 64 : index
          %get3A_276 = tpu.vector_load %arg6[%get3A_274, %get3A_275] {strides = array<i32>} : memref<200x128xf32, #tpu.memory_space<vmem>>, vector<1x16xf32>,
          %get3A_277 = vector.shape_cast %get3A_276 : vector<1x16xf32> to vector<16xf32>
          %swap3A_278 = arith.index_cast %add3A_237 : i32 to index
          %swap3A_279 = arith.constant 64 : index
          %swap3A_280 = tpu.vector_load %arg7[%swap3A_278, %swap3A_279] {strides = array<i32>} : memref<200x128xf32, #tpu.memory_space<vmem>>, vector<1x16xf32>,
          %swap3A_281 = vector.shape_cast %swap3A_280 : vector<1x16xf32> to vector<16xf32>
          %swap3A_282 = vector.shape_cast %get3A_277 : vector<16xf32> to vector<1x16xf32>
          tpu.vector_store %arg7[%swap3A_278, %swap3A_279], %swap3A_282 {add = true, strides = array<i32>} : memref<200x128xf32, #tpu.memory_space<vmem>>, vector<1x16xf32>,
          %get3A_283 = arith.index_cast %add3A_237 : i32 to index
          %get3A_284 = arith.constant 80 : index
          %get3A_285 = tpu.vector_load %arg6[%get3A_283, %get3A_284] {strides = array<i32>} : memref<200x128xf32, #tpu.memory_space<vmem>>, vector<1x16xf32>,
          %get3A_286 = vector.shape_cast %get3A_285 : vector<1x16xf32> to vector<16xf32>
          %swap3A_287 = arith.index_cast %add3A_237 : i32 to index
          %swap3A_288 = arith.constant 80 : index
          %swap3A_289 = tpu.vector_load %arg7[%swap3A_287, %swap3A_288] {strides = array<i32>} : memref<200x128xf32, #tpu.memory_space<vmem>>, vector<1x16xf32>,
          %swap3A_290 = vector.shape_cast %swap3A_289 : vector<1x16xf32> to vector<16xf32>
          %swap3A_291 = vector.shape_cast %get3A_286 : vector<16xf32> to vector<1x16xf32>
          tpu.vector_store %arg7[%swap3A_287, %swap3A_288], %swap3A_291 {add = true, strides = array<i32>} : memref<200x128xf32, #tpu.memory_space<vmem>>, vector<1x16xf32>,
          %get3A_292 = arith.index_cast %add3A_237 : i32 to index
          %get3A_293 = arith.constant 96 : index
          %get3A_294 = tpu.vector_load %arg6[%get3A_292, %get3A_293] {strides = array<i32>} : memref<200x128xf32, #tpu.memory_space<vmem>>, vector<1x16xf32>,
          %get3A_295 = vector.shape_cast %get3A_294 : vector<1x16xf32> to vector<16xf32>
          %swap3A_296 = arith.index_cast %add3A_237 : i32 to index
          %swap3A_297 = arith.constant 96 : index
          %swap3A_298 = tpu.vector_load %arg7[%swap3A_296, %swap3A_297] {strides = array<i32>} : memref<200x128xf32, #tpu.memory_space<vmem>>, vector<1x16xf32>,
          %swap3A_299 = vector.shape_cast %swap3A_298 : vector<1x16xf32> to vector<16xf32>
          %swap3A_300 = vector.shape_cast %get3A_295 : vector<16xf32> to vector<1x16xf32>
          tpu.vector_store %arg7[%swap3A_296, %swap3A_297], %swap3A_300 {add = true, strides = array<i32>} : memref<200x128xf32, #tpu.memory_space<vmem>>, vector<1x16xf32>,
          %get3A_301 = arith.index_cast %add3A_237 : i32 to index
          %get3A_302 = arith.constant 112 : index
          %get3A_303 = tpu.vector_load %arg6[%get3A_301, %get3A_302] {strides = array<i32>} : memref<200x128xf32, #tpu.memory_space<vmem>>, vector<1x16xf32>,
          %get3A_304 = vector.shape_cast %get3A_303 : vector<1x16xf32> to vector<16xf32>
          %swap3A_305 = arith.index_cast %add3A_237 : i32 to index
          %swap3A_306 = arith.constant 112 : index
          %swap3A_307 = tpu.vector_load %arg7[%swap3A_305, %swap3A_306] {strides = array<i32>} : memref<200x128xf32, #tpu.memory_space<vmem>>, vector<1x16xf32>,
          %swap3A_308 = vector.shape_cast %swap3A_307 : vector<1x16xf32> to vector<16xf32>
          %swap3A_309 = vector.shape_cast %get3A_304 : vector<16xf32> to vector<1x16xf32>
          tpu.vector_store %arg7[%swap3A_305, %swap3A_306], %swap3A_309 {add = true, strides = array<i32>} : memref<200x128xf32, #tpu.memory_space<vmem>>, vector<1x16xf32>,
          %mul3A_310 = arith.constant 4 : i32
          %mul3A_311 = arith.muli %scan3A_159, %mul3A_310 : i32
          %add3A_312 = arith.constant 2 : i32
          %add3A_313 = arith.addi %mul3A_311, %add3A_312 : i32
          %get3A_314 = arith.index_cast %add3A_313 : i32 to index
          %get3A_315 = arith.constant 0 : index
          %get3A_316 = tpu.vector_load %arg6[%get3A_314, %get3A_315] {strides = array<i32>} : memref<200x128xf32, #tpu.memory_space<vmem>>, vector<1x16xf32>,
          %get3A_317 = vector.shape_cast %get3A_316 : vector<1x16xf32> to vector<16xf32>
          %swap3A_318 = arith.index_cast %add3A_313 : i32 to index
          %swap3A_319 = arith.constant 0 : index
          %swap3A_320 = tpu.vector_load %arg7[%swap3A_318, %swap3A_319] {strides = array<i32>} : memref<200x128xf32, #tpu.memory_space<vmem>>, vector<1x16xf32>,
          %swap3A_321 = vector.shape_cast %swap3A_320 : vector<1x16xf32> to vector<16xf32>
          %swap3A_322 = vector.shape_cast %get3A_317 : vector<16xf32> to vector<1x16xf32>
          tpu.vector_store %arg7[%swap3A_318, %swap3A_319], %swap3A_322 {add = true, strides = array<i32>} : memref<200x128xf32, #tpu.memory_space<vmem>>, vector<1x16xf32>,
          %get3A_323 = arith.index_cast %add3A_313 : i32 to index
          %get3A_324 = arith.constant 16 : index
          %get3A_325 = tpu.vector_load %arg6[%get3A_323, %get3A_324] {strides = array<i32>} : memref<200x128xf32, #tpu.memory_space<vmem>>, vector<1x16xf32>,
          %get3A_326 = vector.shape_cast %get3A_325 : vector<1x16xf32> to vector<16xf32>
          %swap3A_327 = arith.index_cast %add3A_313 : i32 to index
          %swap3A_328 = arith.constant 16 : index
          %swap3A_329 = tpu.vector_load %arg7[%swap3A_327, %swap3A_328] {strides = array<i32>} : memref<200x128xf32, #tpu.memory_space<vmem>>, vector<1x16xf32>,
          %swap3A_330 = vector.shape_cast %swap3A_329 : vector<1x16xf32> to vector<16xf32>
          %swap3A_331 = vector.shape_cast %get3A_326 : vector<16xf32> to vector<1x16xf32>
          tpu.vector_store %arg7[%swap3A_327, %swap3A_328], %swap3A_331 {add = true, strides = array<i32>} : memref<200x128xf32, #tpu.memory_space<vmem>>, vector<1x16xf32>,
          %get3A_332 = arith.index_cast %add3A_313 : i32 to index
          %get3A_333 = arith.constant 32 : index
          %get3A_334 = tpu.vector_load %arg6[%get3A_332, %get3A_333] {strides = array<i32>} : memref<200x128xf32, #tpu.memory_space<vmem>>, vector<1x16xf32>,
          %get3A_335 = vector.shape_cast %get3A_334 : vector<1x16xf32> to vector<16xf32>
          %swap3A_336 = arith.index_cast %add3A_313 : i32 to index
          %swap3A_337 = arith.constant 32 : index
          %swap3A_338 = tpu.vector_load %arg7[%swap3A_336, %swap3A_337] {strides = array<i32>} : memref<200x128xf32, #tpu.memory_space<vmem>>, vector<1x16xf32>,
          %swap3A_339 = vector.shape_cast %swap3A_338 : vector<1x16xf32> to vector<16xf32>
          %swap3A_340 = vector.shape_cast %get3A_335 : vector<16xf32> to vector<1x16xf32>
          tpu.vector_store %arg7[%swap3A_336, %swap3A_337], %swap3A_340 {add = true, strides = array<i32>} : memref<200x128xf32, #tpu.memory_space<vmem>>, vector<1x16xf32>,
          %get3A_341 = arith.index_cast %add3A_313 : i32 to index
          %get3A_342 = arith.constant 48 : index
          %get3A_343 = tpu.vector_load %arg6[%get3A_341, %get3A_342] {strides = array<i32>} : memref<200x128xf32, #tpu.memory_space<vmem>>, vector<1x16xf32>,
          %get3A_344 = vector.shape_cast %get3A_343 : vector<1x16xf32> to vector<16xf32>
          %swap3A_345 = arith.index_cast %add3A_313 : i32 to index
          %swap3A_346 = arith.constant 48 : index
          %swap3A_347 = tpu.vector_load %arg7[%swap3A_345, %swap3A_346] {strides = array<i32>} : memref<200x128xf32, #tpu.memory_space<vmem>>, vector<1x16xf32>,
          %swap3A_348 = vector.shape_cast %swap3A_347 : vector<1x16xf32> to vector<16xf32>
          %swap3A_349 = vector.shape_cast %get3A_344 : vector<16xf32> to vector<1x16xf32>
          tpu.vector_store %arg7[%swap3A_345, %swap3A_346], %swap3A_349 {add = true, strides = array<i32>} : memref<200x128xf32, #tpu.memory_space<vmem>>, vector<1x16xf32>,
          %get3A_350 = arith.index_cast %add3A_313 : i32 to index
          %get3A_351 = arith.constant 64 : index
          %get3A_352 = tpu.vector_load %arg6[%get3A_350, %get3A_351] {strides = array<i32>} : memref<200x128xf32, #tpu.memory_space<vmem>>, vector<1x16xf32>,
          %get3A_353 = vector.shape_cast %get3A_352 : vector<1x16xf32> to vector<16xf32>
          %swap3A_354 = arith.index_cast %add3A_313 : i32 to index
          %swap3A_355 = arith.constant 64 : index
          %swap3A_356 = tpu.vector_load %arg7[%swap3A_354, %swap3A_355] {strides = array<i32>} : memref<200x128xf32, #tpu.memory_space<vmem>>, vector<1x16xf32>,
          %swap3A_357 = vector.shape_cast %swap3A_356 : vector<1x16xf32> to vector<16xf32>
          %swap3A_358 = vector.shape_cast %get3A_353 : vector<16xf32> to vector<1x16xf32>
          tpu.vector_store %arg7[%swap3A_354, %swap3A_355], %swap3A_358 {add = true, strides = array<i32>} : memref<200x128xf32, #tpu.memory_space<vmem>>, vector<1x16xf32>,
          %get3A_359 = arith.index_cast %add3A_313 : i32 to index
          %get3A_360 = arith.constant 80 : index
          %get3A_361 = tpu.vector_load %arg6[%get3A_359, %get3A_360] {strides = array<i32>} : memref<200x128xf32, #tpu.memory_space<vmem>>, vector<1x16xf32>,
          %get3A_362 = vector.shape_cast %get3A_361 : vector<1x16xf32> to vector<16xf32>
          %swap3A_363 = arith.index_cast %add3A_313 : i32 to index
          %swap3A_364 = arith.constant 80 : index
          %swap3A_365 = tpu.vector_load %arg7[%swap3A_363, %swap3A_364] {strides = array<i32>} : memref<200x128xf32, #tpu.memory_space<vmem>>, vector<1x16xf32>,
          %swap3A_366 = vector.shape_cast %swap3A_365 : vector<1x16xf32> to vector<16xf32>
          %swap3A_367 = vector.shape_cast %get3A_362 : vector<16xf32> to vector<1x16xf32>
          tpu.vector_store %arg7[%swap3A_363, %swap3A_364], %swap3A_367 {add = true, strides = array<i32>} : memref<200x128xf32, #tpu.memory_space<vmem>>, vector<1x16xf32>,
          %get3A_368 = arith.index_cast %add3A_313 : i32 to index
          %get3A_369 = arith.constant 96 : index
          %get3A_370 = tpu.vector_load %arg6[%get3A_368, %get3A_369] {strides = array<i32>} : memref<200x128xf32, #tpu.memory_space<vmem>>, vector<1x16xf32>,
          %get3A_371 = vector.shape_cast %get3A_370 : vector<1x16xf32> to vector<16xf32>
          %swap3A_372 = arith.index_cast %add3A_313 : i32 to index
          %swap3A_373 = arith.constant 96 : index
          %swap3A_374 = tpu.vector_load %arg7[%swap3A_372, %swap3A_373] {strides = array<i32>} : memref<200x128xf32, #tpu.memory_space<vmem>>, vector<1x16xf32>,
          %swap3A_375 = vector.shape_cast %swap3A_374 : vector<1x16xf32> to vector<16xf32>
          %swap3A_376 = vector.shape_cast %get3A_371 : vector<16xf32> to vector<1x16xf32>
          tpu.vector_store %arg7[%swap3A_372, %swap3A_373], %swap3A_376 {add = true, strides = array<i32>} : memref<200x128xf32, #tpu.memory_space<vmem>>, vector<1x16xf32>,
          %get3A_377 = arith.index_cast %add3A_313 : i32 to index
          %get3A_378 = arith.constant 112 : index
          %get3A_379 = tpu.vector_load %arg6[%get3A_377, %get3A_378] {strides = array<i32>} : memref<200x128xf32, #tpu.memory_space<vmem>>, vector<1x16xf32>,
          %get3A_380 = vector.shape_cast %get3A_379 : vector<1x16xf32> to vector<16xf32>
          %swap3A_381 = arith.index_cast %add3A_313 : i32 to index
          %swap3A_382 = arith.constant 112 : index
          %swap3A_383 = tpu.vector_load %arg7[%swap3A_381, %swap3A_382] {strides = array<i32>} : memref<200x128xf32, #tpu.memory_space<vmem>>, vector<1x16xf32>,
          %swap3A_384 = vector.shape_cast %swap3A_383 : vector<1x16xf32> to vector<16xf32>
          %swap3A_385 = vector.shape_cast %get3A_380 : vector<16xf32> to vector<1x16xf32>
          tpu.vector_store %arg7[%swap3A_381, %swap3A_382], %swap3A_385 {add = true, strides = array<i32>} : memref<200x128xf32, #tpu.memory_space<vmem>>, vector<1x16xf32>,
          %mul3A_386 = arith.constant 4 : i32
          %mul3A_387 = arith.muli %scan3A_159, %mul3A_386 : i32
          %add3A_388 = arith.constant 3 : i32
          %add3A_389 = arith.addi %mul3A_387, %add3A_388 : i32
          %get3A_390 = arith.index_cast %add3A_389 : i32 to index
          %get3A_391 = arith.constant 0 : index
          %get3A_392 = tpu.vector_load %arg6[%get3A_390, %get3A_391] {strides = array<i32>} : memref<200x128xf32, #tpu.memory_space<vmem>>, vector<1x16xf32>,
          %get3A_393 = vector.shape_cast %get3A_392 : vector<1x16xf32> to vector<16xf32>
          %swap3A_394 = arith.index_cast %add3A_389 : i32 to index
          %swap3A_395 = arith.constant 0 : index
          %swap3A_396 = tpu.vector_load %arg7[%swap3A_394, %swap3A_395] {strides = array<i32>} : memref<200x128xf32, #tpu.memory_space<vmem>>, vector<1x16xf32>,
          %swap3A_397 = vector.shape_cast %swap3A_396 : vector<1x16xf32> to vector<16xf32>
          %swap3A_398 = vector.shape_cast %get3A_393 : vector<16xf32> to vector<1x16xf32>
          tpu.vector_store %arg7[%swap3A_394, %swap3A_395], %swap3A_398 {add = true, strides = array<i32>} : memref<200x128xf32, #tpu.memory_space<vmem>>, vector<1x16xf32>,
          %get3A_399 = arith.index_cast %add3A_389 : i32 to index
          %get3A_400 = arith.constant 16 : index
          %get3A_401 = tpu.vector_load %arg6[%get3A_399, %get3A_400] {strides = array<i32>} : memref<200x128xf32, #tpu.memory_space<vmem>>, vector<1x16xf32>,
          %get3A_402 = vector.shape_cast %get3A_401 : vector<1x16xf32> to vector<16xf32>
          %swap3A_403 = arith.index_cast %add3A_389 : i32 to index
          %swap3A_404 = arith.constant 16 : index
          %swap3A_405 = tpu.vector_load %arg7[%swap3A_403, %swap3A_404] {strides = array<i32>} : memref<200x128xf32, #tpu.memory_space<vmem>>, vector<1x16xf32>,
          %swap3A_406 = vector.shape_cast %swap3A_405 : vector<1x16xf32> to vector<16xf32>
          %swap3A_407 = vector.shape_cast %get3A_402 : vector<16xf32> to vector<1x16xf32>
          tpu.vector_store %arg7[%swap3A_403, %swap3A_404], %swap3A_407 {add = true, strides = array<i32>} : memref<200x128xf32, #tpu.memory_space<vmem>>, vector<1x16xf32>,
          %get3A_408 = arith.index_cast %add3A_389 : i32 to index
          %get3A_409 = arith.constant 32 : index
          %get3A_410 = tpu.vector_load %arg6[%get3A_408, %get3A_409] {strides = array<i32>} : memref<200x128xf32, #tpu.memory_space<vmem>>, vector<1x16xf32>,
          %get3A_411 = vector.shape_cast %get3A_410 : vector<1x16xf32> to vector<16xf32>
          %swap3A_412 = arith.index_cast %add3A_389 : i32 to index
          %swap3A_413 = arith.constant 32 : index
          %swap3A_414 = tpu.vector_load %arg7[%swap3A_412, %swap3A_413] {strides = array<i32>} : memref<200x128xf32, #tpu.memory_space<vmem>>, vector<1x16xf32>,
          %swap3A_415 = vector.shape_cast %swap3A_414 : vector<1x16xf32> to vector<16xf32>
          %swap3A_416 = vector.shape_cast %get3A_411 : vector<16xf32> to vector<1x16xf32>
          tpu.vector_store %arg7[%swap3A_412, %swap3A_413], %swap3A_416 {add = true, strides = array<i32>} : memref<200x128xf32, #tpu.memory_space<vmem>>, vector<1x16xf32>,
          %get3A_417 = arith.index_cast %add3A_389 : i32 to index
          %get3A_418 = arith.constant 48 : index
          %get3A_419 = tpu.vector_load %arg6[%get3A_417, %get3A_418] {strides = array<i32>} : memref<200x128xf32, #tpu.memory_space<vmem>>, vector<1x16xf32>,
          %get3A_420 = vector.shape_cast %get3A_419 : vector<1x16xf32> to vector<16xf32>
          %swap3A_421 = arith.index_cast %add3A_389 : i32 to index
          %swap3A_422 = arith.constant 48 : index
          %swap3A_423 = tpu.vector_load %arg7[%swap3A_421, %swap3A_422] {strides = array<i32>} : memref<200x128xf32, #tpu.memory_space<vmem>>, vector<1x16xf32>,
          %swap3A_424 = vector.shape_cast %swap3A_423 : vector<1x16xf32> to vector<16xf32>
          %swap3A_425 = vector.shape_cast %get3A_420 : vector<16xf32> to vector<1x16xf32>
          tpu.vector_store %arg7[%swap3A_421, %swap3A_422], %swap3A_425 {add = true, strides = array<i32>} : memref<200x128xf32, #tpu.memory_space<vmem>>, vector<1x16xf32>,
          %get3A_426 = arith.index_cast %add3A_389 : i32 to index
          %get3A_427 = arith.constant 64 : index
          %get3A_428 = tpu.vector_load %arg6[%get3A_426, %get3A_427] {strides = array<i32>} : memref<200x128xf32, #tpu.memory_space<vmem>>, vector<1x16xf32>,
          %get3A_429 = vector.shape_cast %get3A_428 : vector<1x16xf32> to vector<16xf32>
          %swap3A_430 = arith.index_cast %add3A_389 : i32 to index
          %swap3A_431 = arith.constant 64 : index
          %swap3A_432 = tpu.vector_load %arg7[%swap3A_430, %swap3A_431] {strides = array<i32>} : memref<200x128xf32, #tpu.memory_space<vmem>>, vector<1x16xf32>,
          %swap3A_433 = vector.shape_cast %swap3A_432 : vector<1x16xf32> to vector<16xf32>
          %swap3A_434 = vector.shape_cast %get3A_429 : vector<16xf32> to vector<1x16xf32>
          tpu.vector_store %arg7[%swap3A_430, %swap3A_431], %swap3A_434 {add = true, strides = array<i32>} : memref<200x128xf32, #tpu.memory_space<vmem>>, vector<1x16xf32>,
          %get3A_435 = arith.index_cast %add3A_389 : i32 to index
          %get3A_436 = arith.constant 80 : index
          %get3A_437 = tpu.vector_load %arg6[%get3A_435, %get3A_436] {strides = array<i32>} : memref<200x128xf32, #tpu.memory_space<vmem>>, vector<1x16xf32>,
          %get3A_438 = vector.shape_cast %get3A_437 : vector<1x16xf32> to vector<16xf32>
          %swap3A_439 = arith.index_cast %add3A_389 : i32 to index
          %swap3A_440 = arith.constant 80 : index
          %swap3A_441 = tpu.vector_load %arg7[%swap3A_439, %swap3A_440] {strides = array<i32>} : memref<200x128xf32, #tpu.memory_space<vmem>>, vector<1x16xf32>,
          %swap3A_442 = vector.shape_cast %swap3A_441 : vector<1x16xf32> to vector<16xf32>
          %swap3A_443 = vector.shape_cast %get3A_438 : vector<16xf32> to vector<1x16xf32>
          tpu.vector_store %arg7[%swap3A_439, %swap3A_440], %swap3A_443 {add = true, strides = array<i32>} : memref<200x128xf32, #tpu.memory_space<vmem>>, vector<1x16xf32>,
          %get3A_444 = arith.index_cast %add3A_389 : i32 to index
          %get3A_445 = arith.constant 96 : index
          %get3A_446 = tpu.vector_load %arg6[%get3A_444, %get3A_445] {strides = array<i32>} : memref<200x128xf32, #tpu.memory_space<vmem>>, vector<1x16xf32>,
          %get3A_447 = vector.shape_cast %get3A_446 : vector<1x16xf32> to vector<16xf32>
          %swap3A_448 = arith.index_cast %add3A_389 : i32 to index
          %swap3A_449 = arith.constant 96 : index
          %swap3A_450 = tpu.vector_load %arg7[%swap3A_448, %swap3A_449] {strides = array<i32>} : memref<200x128xf32, #tpu.memory_space<vmem>>, vector<1x16xf32>,
          %swap3A_451 = vector.shape_cast %swap3A_450 : vector<1x16xf32> to vector<16xf32>
          %swap3A_452 = vector.shape_cast %get3A_447 : vector<16xf32> to vector<1x16xf32>
          tpu.vector_store %arg7[%swap3A_448, %swap3A_449], %swap3A_452 {add = true, strides = array<i32>} : memref<200x128xf32, #tpu.memory_space<vmem>>, vector<1x16xf32>,
          %get3A_453 = arith.index_cast %add3A_389 : i32 to index
          %get3A_454 = arith.constant 112 : index
          %get3A_455 = tpu.vector_load %arg6[%get3A_453, %get3A_454] {strides = array<i32>} : memref<200x128xf32, #tpu.memory_space<vmem>>, vector<1x16xf32>,
          %get3A_456 = vector.shape_cast %get3A_455 : vector<1x16xf32> to vector<16xf32>
          %swap3A_457 = arith.index_cast %add3A_389 : i32 to index
          %swap3A_458 = arith.constant 112 : index
          %swap3A_459 = tpu.vector_load %arg7[%swap3A_457, %swap3A_458] {strides = array<i32>} : memref<200x128xf32, #tpu.memory_space<vmem>>, vector<1x16xf32>,
          %swap3A_460 = vector.shape_cast %swap3A_459 : vector<1x16xf32> to vector<16xf32>
          %swap3A_461 = vector.shape_cast %get3A_456 : vector<16xf32> to vector<1x16xf32>
          tpu.vector_store %arg7[%swap3A_457, %swap3A_458], %swap3A_461 {add = true, strides = array<i32>} : memref<200x128xf32, #tpu.memory_space<vmem>>, vector<1x16xf32>,
        }
        %scan3A_158 = arith.constant 50 : i32
      } else {
      }
      %ge3A = arith.constant 1 : i32
      %ge3A_53 = arith.cmpi sge, %add3A_36, %ge3A : i32
      %lt3A_54 = arith.constant 129 : i32
      %lt3A_55 = arith.cmpi slt, %add3A_36, %lt3A_54 : i32
      %and3A = arith.andi %ge3A_53, %lt3A_55 : i1
      %convert_element_type3A_56 = arith.extui %and3A : i1 to i32
      %cond3A_57 = arith.constant 0 : i32
      %cond3A_58 = arith.cmpi ne, %convert_element_type3A_56, %cond3A_57 : i32
      scf.if %cond3A_58 {
        %dma_wait3A_153 = arith.constant 0 : i32
        %dma_wait3A_154 = tpu.memref_slice %arg5[%mul3A_4, %dma_wait3A_153] : memref<819200x128xf32, #tpu.memory_space<hbm>> -> memref<200x128xf32, #tpu.memory_space<hbm>>
        %dma_wait3A_155 = arith.constant 0 : i32
        %dma_wait3A_156 = tpu.memref_slice %arg5[%mul3A_4, %dma_wait3A_155] : memref<819200x128xf32, #tpu.memory_space<hbm>> -> memref<200x128xf32, #tpu.memory_space<hbm>>
        tpu.wait_dma2 semaphore(%arg19 : memref<!tpu.dma_semaphore, #tpu.memory_space<semaphore_mem>>) src(%arg9 : memref<200x128xf32, #tpu.memory_space<vmem>>) dst(%dma_wait3A_156 : memref<200x128xf32, #tpu.memory_space<hbm>>)
      } else {
      }
      %add3A_59 = arith.constant 2 : i32
      %add3A_60 = arith.addi %add3A_36, %add3A_59 : i32
      %lt3A_61 = arith.constant 128 : i32
      %lt3A_62 = arith.cmpi slt, %add3A_60, %lt3A_61 : i32
      %convert_element_type3A_63 = arith.extui %lt3A_62 : i1 to i32
      %cond3A_64 = arith.constant 0 : i32
      %cond3A_65 = arith.cmpi ne, %convert_element_type3A_63, %cond3A_64 : i32
      scf.if %cond3A_65 {
        %dma_wait3A_153 = tpu.memref_slice %arg2[%mul3A_4] : memref<819200xi32, #tpu.memory_space<hbm>> -> memref<200xi32, #tpu.memory_space<hbm>>
        %dma_wait3A_154 = tpu.memref_slice %arg2[%mul3A_4] : memref<819200xi32, #tpu.memory_space<hbm>> -> memref<200xi32, #tpu.memory_space<hbm>>
        tpu.wait_dma2 semaphore(%arg22 : memref<!tpu.dma_semaphore, #tpu.memory_space<semaphore_mem>>) src(%dma_wait3A_154 : memref<200xi32, #tpu.memory_space<hbm>>) dst(%arg12 : memref<200xi32, #tpu.memory_space<vmem>>)
        %dma_start3A_155 = arith.constant 0 : i32
        %dma_start3A_156 = arith.constant 0 : i32
        %dma_start3A_157 = tpu.memref_slice %arg13[%dma_start3A_155, %dma_start3A_156] : memref<1000x128xf32, #tpu.memory_space<vmem_shared>> -> memref<1000x128xf32, #tpu.memory_space<vmem_shared>>
        tpu.enqueue_indirect_dma source(%dma_start3A_157 : memref<1000x128xf32, #tpu.memory_space<vmem_shared>>) target(%arg9 : memref<200x128xf32, #tpu.memory_space<vmem>>) offsets(%arg12 : memref<200xi32, #tpu.memory_space<vmem>>) semaphore(%arg16 : memref<!tpu.dma_semaphore, #tpu.memory_space<semaphore_mem>>)
      } else {
      }
      %lt3A_66 = arith.constant 128 : i32
      %lt3A_67 = arith.cmpi slt, %add3A_36, %lt3A_66 : i32
      %convert_element_type3A_68 = arith.extui %lt3A_67 : i1 to i32
      %cond3A_69 = arith.constant 0 : i32
      %cond3A_70 = arith.cmpi ne, %convert_element_type3A_68, %cond3A_69 : i32
      scf.if %cond3A_70 {
        %mul3A_153 = arith.constant 200 : i32
        %mul3A_154 = arith.muli %add3A_36, %mul3A_153 : i32
        %add3A_155 = arith.addi %mul3A_4, %mul3A_154 : i32
        %dma_start3A_156 = arith.constant 0 : i32
        %dma_start3A_157 = tpu.memref_slice %arg5[%add3A_155, %dma_start3A_156] : memref<819200x128xf32, #tpu.memory_space<hbm>> -> memref<200x128xf32, #tpu.memory_space<hbm>>
        %dma_start3A_158 = arith.constant 0 : i32
        %dma_start3A_159 = tpu.memref_slice %arg5[%add3A_155, %dma_start3A_158] : memref<819200x128xf32, #tpu.memory_space<hbm>> -> memref<200x128xf32, #tpu.memory_space<hbm>>
        tpu.enqueue_dma source(%arg7 : memref<200x128xf32, #tpu.memory_space<vmem>>) target(%dma_start3A_159 : memref<200x128xf32, #tpu.memory_space<hbm>>) target_semaphore(%arg17 : memref<!tpu.dma_semaphore, #tpu.memory_space<semaphore_mem>>)
      } else {
      }
      %mul3A_71 = arith.constant 3 : i32
      %mul3A_72 = arith.muli %mul3A_71, %scan3A_32 : i32
      %add3A_73 = arith.constant 1 : i32
      %add3A_74 = arith.addi %mul3A_72, %add3A_73 : i32
      %lt3A_75 = arith.constant 128 : i32
      %lt3A_76 = arith.cmpi slt, %add3A_74, %lt3A_75 : i32
      %convert_element_type3A_77 = arith.extui %lt3A_76 : i1 to i32
      %cond3A_78 = arith.constant 0 : i32
      %cond3A_79 = arith.cmpi ne, %convert_element_type3A_77, %cond3A_78 : i32
      scf.if %cond3A_79 {
        %dma_wait3A_153 = arith.constant 0 : i32
        %dma_wait3A_154 = arith.constant 0 : i32
        %dma_wait3A_155 = tpu.memref_slice %arg13[%dma_wait3A_153, %dma_wait3A_154] : memref<1000x128xf32, #tpu.memory_space<vmem_shared>> -> memref<1000x128xf32, #tpu.memory_space<vmem_shared>>
        tpu.wait_indirect_dma semaphore(%arg15 : memref<!tpu.dma_semaphore, #tpu.memory_space<semaphore_mem>>) src(%dma_wait3A_155 : memref<1000x128xf32, #tpu.memory_space<vmem_shared>>) dst(%arg8 : memref<200x128xf32, #tpu.memory_space<vmem>>)
      } else {
      }
      %add3A_80 = arith.constant 3 : i32
      %add3A_81 = arith.addi %add3A_74, %add3A_80 : i32
      %lt3A_82 = arith.constant 128 : i32
      %lt3A_83 = arith.cmpi slt, %add3A_81, %lt3A_82 : i32
      %convert_element_type3A_84 = arith.extui %lt3A_83 : i1 to i32
      %cond3A_85 = arith.constant 0 : i32
      %cond3A_86 = arith.cmpi ne, %convert_element_type3A_84, %cond3A_85 : i32
      scf.if %cond3A_86 {
        %add3A_153 = arith.constant 3 : i32
        %add3A_154 = arith.addi %add3A_74, %add3A_153 : i32
        %mul3A_155 = arith.constant 200 : i32
        %mul3A_156 = arith.muli %add3A_154, %mul3A_155 : i32
        %add3A_157 = arith.addi %mul3A_4, %mul3A_156 : i32
        %dma_start3A_158 = tpu.memref_slice %arg2[%add3A_157] : memref<819200xi32, #tpu.memory_space<hbm>> -> memref<200xi32, #tpu.memory_space<hbm>>
        %dma_start3A_159 = tpu.memref_slice %arg2[%add3A_157] : memref<819200xi32, #tpu.memory_space<hbm>> -> memref<200xi32, #tpu.memory_space<hbm>>
        tpu.enqueue_dma source(%dma_start3A_159 : memref<200xi32, #tpu.memory_space<hbm>>) target(%arg11 : memref<200xi32, #tpu.memory_space<vmem>>) target_semaphore(%arg21 : memref<!tpu.dma_semaphore, #tpu.memory_space<semaphore_mem>>)
      } else {
      }
      %lt3A_87 = arith.constant 128 : i32
      %lt3A_88 = arith.cmpi slt, %add3A_74, %lt3A_87 : i32
      %convert_element_type3A_89 = arith.extui %lt3A_88 : i1 to i32
      %cond3A_90 = arith.constant 0 : i32
      %cond3A_91 = arith.cmpi ne, %convert_element_type3A_89, %cond3A_90 : i32
      scf.if %cond3A_91 {
        %scan3A_153 = arith.constant 0 : i32
        %scan3A_154 = arith.constant 0 : i32
        %scan3A_155 = arith.constant 50 : i32
        %scan3A_156 = arith.addi %scan3A_154, %scan3A_155 : i32
        %scan3A_157 = arith.constant 1 : i32
        scf.for %scan3A_159 = %scan3A_154 to %scan3A_156 step %scan3A_157  : i32 {
          %mul3A_160 = arith.constant 4 : i32
          %mul3A_161 = arith.muli %scan3A_159, %mul3A_160 : i32
          %add3A_162 = arith.constant 0 : i32
          %add3A_163 = arith.addi %mul3A_161, %add3A_162 : i32
          %get3A = arith.index_cast %add3A_163 : i32 to index
          %get3A_164 = arith.constant 0 : index
          %get3A_165 = tpu.vector_load %arg6[%get3A, %get3A_164] {strides = array<i32>} : memref<200x128xf32, #tpu.memory_space<vmem>>, vector<1x16xf32>,
          %get3A_166 = vector.shape_cast %get3A_165 : vector<1x16xf32> to vector<16xf32>
          %swap3A = arith.index_cast %add3A_163 : i32 to index
          %swap3A_167 = arith.constant 0 : index
          %swap3A_168 = tpu.vector_load %arg8[%swap3A, %swap3A_167] {strides = array<i32>} : memref<200x128xf32, #tpu.memory_space<vmem>>, vector<1x16xf32>,
          %swap3A_169 = vector.shape_cast %swap3A_168 : vector<1x16xf32> to vector<16xf32>
          %swap3A_170 = vector.shape_cast %get3A_166 : vector<16xf32> to vector<1x16xf32>
          tpu.vector_store %arg8[%swap3A, %swap3A_167], %swap3A_170 {add = true, strides = array<i32>} : memref<200x128xf32, #tpu.memory_space<vmem>>, vector<1x16xf32>,
          %get3A_171 = arith.index_cast %add3A_163 : i32 to index
          %get3A_172 = arith.constant 16 : index
          %get3A_173 = tpu.vector_load %arg6[%get3A_171, %get3A_172] {strides = array<i32>} : memref<200x128xf32, #tpu.memory_space<vmem>>, vector<1x16xf32>,
          %get3A_174 = vector.shape_cast %get3A_173 : vector<1x16xf32> to vector<16xf32>
          %swap3A_175 = arith.index_cast %add3A_163 : i32 to index
          %swap3A_176 = arith.constant 16 : index
          %swap3A_177 = tpu.vector_load %arg8[%swap3A_175, %swap3A_176] {strides = array<i32>} : memref<200x128xf32, #tpu.memory_space<vmem>>, vector<1x16xf32>,
          %swap3A_178 = vector.shape_cast %swap3A_177 : vector<1x16xf32> to vector<16xf32>
          %swap3A_179 = vector.shape_cast %get3A_174 : vector<16xf32> to vector<1x16xf32>
          tpu.vector_store %arg8[%swap3A_175, %swap3A_176], %swap3A_179 {add = true, strides = array<i32>} : memref<200x128xf32, #tpu.memory_space<vmem>>, vector<1x16xf32>,
          %get3A_180 = arith.index_cast %add3A_163 : i32 to index
          %get3A_181 = arith.constant 32 : index
          %get3A_182 = tpu.vector_load %arg6[%get3A_180, %get3A_181] {strides = array<i32>} : memref<200x128xf32, #tpu.memory_space<vmem>>, vector<1x16xf32>,
          %get3A_183 = vector.shape_cast %get3A_182 : vector<1x16xf32> to vector<16xf32>
          %swap3A_184 = arith.index_cast %add3A_163 : i32 to index
          %swap3A_185 = arith.constant 32 : index
          %swap3A_186 = tpu.vector_load %arg8[%swap3A_184, %swap3A_185] {strides = array<i32>} : memref<200x128xf32, #tpu.memory_space<vmem>>, vector<1x16xf32>,
          %swap3A_187 = vector.shape_cast %swap3A_186 : vector<1x16xf32> to vector<16xf32>
          %swap3A_188 = vector.shape_cast %get3A_183 : vector<16xf32> to vector<1x16xf32>
          tpu.vector_store %arg8[%swap3A_184, %swap3A_185], %swap3A_188 {add = true, strides = array<i32>} : memref<200x128xf32, #tpu.memory_space<vmem>>, vector<1x16xf32>,
          %get3A_189 = arith.index_cast %add3A_163 : i32 to index
          %get3A_190 = arith.constant 48 : index
          %get3A_191 = tpu.vector_load %arg6[%get3A_189, %get3A_190] {strides = array<i32>} : memref<200x128xf32, #tpu.memory_space<vmem>>, vector<1x16xf32>,
          %get3A_192 = vector.shape_cast %get3A_191 : vector<1x16xf32> to vector<16xf32>
          %swap3A_193 = arith.index_cast %add3A_163 : i32 to index
          %swap3A_194 = arith.constant 48 : index
          %swap3A_195 = tpu.vector_load %arg8[%swap3A_193, %swap3A_194] {strides = array<i32>} : memref<200x128xf32, #tpu.memory_space<vmem>>, vector<1x16xf32>,
          %swap3A_196 = vector.shape_cast %swap3A_195 : vector<1x16xf32> to vector<16xf32>
          %swap3A_197 = vector.shape_cast %get3A_192 : vector<16xf32> to vector<1x16xf32>
          tpu.vector_store %arg8[%swap3A_193, %swap3A_194], %swap3A_197 {add = true, strides = array<i32>} : memref<200x128xf32, #tpu.memory_space<vmem>>, vector<1x16xf32>,
          %get3A_198 = arith.index_cast %add3A_163 : i32 to index
          %get3A_199 = arith.constant 64 : index
          %get3A_200 = tpu.vector_load %arg6[%get3A_198, %get3A_199] {strides = array<i32>} : memref<200x128xf32, #tpu.memory_space<vmem>>, vector<1x16xf32>,
          %get3A_201 = vector.shape_cast %get3A_200 : vector<1x16xf32> to vector<16xf32>
          %swap3A_202 = arith.index_cast %add3A_163 : i32 to index
          %swap3A_203 = arith.constant 64 : index
          %swap3A_204 = tpu.vector_load %arg8[%swap3A_202, %swap3A_203] {strides = array<i32>} : memref<200x128xf32, #tpu.memory_space<vmem>>, vector<1x16xf32>,
          %swap3A_205 = vector.shape_cast %swap3A_204 : vector<1x16xf32> to vector<16xf32>
          %swap3A_206 = vector.shape_cast %get3A_201 : vector<16xf32> to vector<1x16xf32>
          tpu.vector_store %arg8[%swap3A_202, %swap3A_203], %swap3A_206 {add = true, strides = array<i32>} : memref<200x128xf32, #tpu.memory_space<vmem>>, vector<1x16xf32>,
          %get3A_207 = arith.index_cast %add3A_163 : i32 to index
          %get3A_208 = arith.constant 80 : index
          %get3A_209 = tpu.vector_load %arg6[%get3A_207, %get3A_208] {strides = array<i32>} : memref<200x128xf32, #tpu.memory_space<vmem>>, vector<1x16xf32>,
          %get3A_210 = vector.shape_cast %get3A_209 : vector<1x16xf32> to vector<16xf32>
          %swap3A_211 = arith.index_cast %add3A_163 : i32 to index
          %swap3A_212 = arith.constant 80 : index
          %swap3A_213 = tpu.vector_load %arg8[%swap3A_211, %swap3A_212] {strides = array<i32>} : memref<200x128xf32, #tpu.memory_space<vmem>>, vector<1x16xf32>,
          %swap3A_214 = vector.shape_cast %swap3A_213 : vector<1x16xf32> to vector<16xf32>
          %swap3A_215 = vector.shape_cast %get3A_210 : vector<16xf32> to vector<1x16xf32>
          tpu.vector_store %arg8[%swap3A_211, %swap3A_212], %swap3A_215 {add = true, strides = array<i32>} : memref<200x128xf32, #tpu.memory_space<vmem>>, vector<1x16xf32>,
          %get3A_216 = arith.index_cast %add3A_163 : i32 to index
          %get3A_217 = arith.constant 96 : index
          %get3A_218 = tpu.vector_load %arg6[%get3A_216, %get3A_217] {strides = array<i32>} : memref<200x128xf32, #tpu.memory_space<vmem>>, vector<1x16xf32>,
          %get3A_219 = vector.shape_cast %get3A_218 : vector<1x16xf32> to vector<16xf32>
          %swap3A_220 = arith.index_cast %add3A_163 : i32 to index
          %swap3A_221 = arith.constant 96 : index
          %swap3A_222 = tpu.vector_load %arg8[%swap3A_220, %swap3A_221] {strides = array<i32>} : memref<200x128xf32, #tpu.memory_space<vmem>>, vector<1x16xf32>,
          %swap3A_223 = vector.shape_cast %swap3A_222 : vector<1x16xf32> to vector<16xf32>
          %swap3A_224 = vector.shape_cast %get3A_219 : vector<16xf32> to vector<1x16xf32>
          tpu.vector_store %arg8[%swap3A_220, %swap3A_221], %swap3A_224 {add = true, strides = array<i32>} : memref<200x128xf32, #tpu.memory_space<vmem>>, vector<1x16xf32>,
          %get3A_225 = arith.index_cast %add3A_163 : i32 to index
          %get3A_226 = arith.constant 112 : index
          %get3A_227 = tpu.vector_load %arg6[%get3A_225, %get3A_226] {strides = array<i32>} : memref<200x128xf32, #tpu.memory_space<vmem>>, vector<1x16xf32>,
          %get3A_228 = vector.shape_cast %get3A_227 : vector<1x16xf32> to vector<16xf32>
          %swap3A_229 = arith.index_cast %add3A_163 : i32 to index
          %swap3A_230 = arith.constant 112 : index
          %swap3A_231 = tpu.vector_load %arg8[%swap3A_229, %swap3A_230] {strides = array<i32>} : memref<200x128xf32, #tpu.memory_space<vmem>>, vector<1x16xf32>,
          %swap3A_232 = vector.shape_cast %swap3A_231 : vector<1x16xf32> to vector<16xf32>
          %swap3A_233 = vector.shape_cast %get3A_228 : vector<16xf32> to vector<1x16xf32>
          tpu.vector_store %arg8[%swap3A_229, %swap3A_230], %swap3A_233 {add = true, strides = array<i32>} : memref<200x128xf32, #tpu.memory_space<vmem>>, vector<1x16xf32>,
          %mul3A_234 = arith.constant 4 : i32
          %mul3A_235 = arith.muli %scan3A_159, %mul3A_234 : i32
          %add3A_236 = arith.constant 1 : i32
          %add3A_237 = arith.addi %mul3A_235, %add3A_236 : i32
          %get3A_238 = arith.index_cast %add3A_237 : i32 to index
          %get3A_239 = arith.constant 0 : index
          %get3A_240 = tpu.vector_load %arg6[%get3A_238, %get3A_239] {strides = array<i32>} : memref<200x128xf32, #tpu.memory_space<vmem>>, vector<1x16xf32>,
          %get3A_241 = vector.shape_cast %get3A_240 : vector<1x16xf32> to vector<16xf32>
          %swap3A_242 = arith.index_cast %add3A_237 : i32 to index
          %swap3A_243 = arith.constant 0 : index
          %swap3A_244 = tpu.vector_load %arg8[%swap3A_242, %swap3A_243] {strides = array<i32>} : memref<200x128xf32, #tpu.memory_space<vmem>>, vector<1x16xf32>,
          %swap3A_245 = vector.shape_cast %swap3A_244 : vector<1x16xf32> to vector<16xf32>
          %swap3A_246 = vector.shape_cast %get3A_241 : vector<16xf32> to vector<1x16xf32>
          tpu.vector_store %arg8[%swap3A_242, %swap3A_243], %swap3A_246 {add = true, strides = array<i32>} : memref<200x128xf32, #tpu.memory_space<vmem>>, vector<1x16xf32>,
          %get3A_247 = arith.index_cast %add3A_237 : i32 to index
          %get3A_248 = arith.constant 16 : index
          %get3A_249 = tpu.vector_load %arg6[%get3A_247, %get3A_248] {strides = array<i32>} : memref<200x128xf32, #tpu.memory_space<vmem>>, vector<1x16xf32>,
          %get3A_250 = vector.shape_cast %get3A_249 : vector<1x16xf32> to vector<16xf32>
          %swap3A_251 = arith.index_cast %add3A_237 : i32 to index
          %swap3A_252 = arith.constant 16 : index
          %swap3A_253 = tpu.vector_load %arg8[%swap3A_251, %swap3A_252] {strides = array<i32>} : memref<200x128xf32, #tpu.memory_space<vmem>>, vector<1x16xf32>,
          %swap3A_254 = vector.shape_cast %swap3A_253 : vector<1x16xf32> to vector<16xf32>
          %swap3A_255 = vector.shape_cast %get3A_250 : vector<16xf32> to vector<1x16xf32>
          tpu.vector_store %arg8[%swap3A_251, %swap3A_252], %swap3A_255 {add = true, strides = array<i32>} : memref<200x128xf32, #tpu.memory_space<vmem>>, vector<1x16xf32>,
          %get3A_256 = arith.index_cast %add3A_237 : i32 to index
          %get3A_257 = arith.constant 32 : index
          %get3A_258 = tpu.vector_load %arg6[%get3A_256, %get3A_257] {strides = array<i32>} : memref<200x128xf32, #tpu.memory_space<vmem>>, vector<1x16xf32>,
          %get3A_259 = vector.shape_cast %get3A_258 : vector<1x16xf32> to vector<16xf32>
          %swap3A_260 = arith.index_cast %add3A_237 : i32 to index
          %swap3A_261 = arith.constant 32 : index
          %swap3A_262 = tpu.vector_load %arg8[%swap3A_260, %swap3A_261] {strides = array<i32>} : memref<200x128xf32, #tpu.memory_space<vmem>>, vector<1x16xf32>,
          %swap3A_263 = vector.shape_cast %swap3A_262 : vector<1x16xf32> to vector<16xf32>
          %swap3A_264 = vector.shape_cast %get3A_259 : vector<16xf32> to vector<1x16xf32>
          tpu.vector_store %arg8[%swap3A_260, %swap3A_261], %swap3A_264 {add = true, strides = array<i32>} : memref<200x128xf32, #tpu.memory_space<vmem>>, vector<1x16xf32>,
          %get3A_265 = arith.index_cast %add3A_237 : i32 to index
          %get3A_266 = arith.constant 48 : index
          %get3A_267 = tpu.vector_load %arg6[%get3A_265, %get3A_266] {strides = array<i32>} : memref<200x128xf32, #tpu.memory_space<vmem>>, vector<1x16xf32>,
          %get3A_268 = vector.shape_cast %get3A_267 : vector<1x16xf32> to vector<16xf32>
          %swap3A_269 = arith.index_cast %add3A_237 : i32 to index
          %swap3A_270 = arith.constant 48 : index
          %swap3A_271 = tpu.vector_load %arg8[%swap3A_269, %swap3A_270] {strides = array<i32>} : memref<200x128xf32, #tpu.memory_space<vmem>>, vector<1x16xf32>,
          %swap3A_272 = vector.shape_cast %swap3A_271 : vector<1x16xf32> to vector<16xf32>
          %swap3A_273 = vector.shape_cast %get3A_268 : vector<16xf32> to vector<1x16xf32>
          tpu.vector_store %arg8[%swap3A_269, %swap3A_270], %swap3A_273 {add = true, strides = array<i32>} : memref<200x128xf32, #tpu.memory_space<vmem>>, vector<1x16xf32>,
          %get3A_274 = arith.index_cast %add3A_237 : i32 to index
          %get3A_275 = arith.constant 64 : index
          %get3A_276 = tpu.vector_load %arg6[%get3A_274, %get3A_275] {strides = array<i32>} : memref<200x128xf32, #tpu.memory_space<vmem>>, vector<1x16xf32>,
          %get3A_277 = vector.shape_cast %get3A_276 : vector<1x16xf32> to vector<16xf32>
          %swap3A_278 = arith.index_cast %add3A_237 : i32 to index
          %swap3A_279 = arith.constant 64 : index
          %swap3A_280 = tpu.vector_load %arg8[%swap3A_278, %swap3A_279] {strides = array<i32>} : memref<200x128xf32, #tpu.memory_space<vmem>>, vector<1x16xf32>,
          %swap3A_281 = vector.shape_cast %swap3A_280 : vector<1x16xf32> to vector<16xf32>
          %swap3A_282 = vector.shape_cast %get3A_277 : vector<16xf32> to vector<1x16xf32>
          tpu.vector_store %arg8[%swap3A_278, %swap3A_279], %swap3A_282 {add = true, strides = array<i32>} : memref<200x128xf32, #tpu.memory_space<vmem>>, vector<1x16xf32>,
          %get3A_283 = arith.index_cast %add3A_237 : i32 to index
          %get3A_284 = arith.constant 80 : index
          %get3A_285 = tpu.vector_load %arg6[%get3A_283, %get3A_284] {strides = array<i32>} : memref<200x128xf32, #tpu.memory_space<vmem>>, vector<1x16xf32>,
          %get3A_286 = vector.shape_cast %get3A_285 : vector<1x16xf32> to vector<16xf32>
          %swap3A_287 = arith.index_cast %add3A_237 : i32 to index
          %swap3A_288 = arith.constant 80 : index
          %swap3A_289 = tpu.vector_load %arg8[%swap3A_287, %swap3A_288] {strides = array<i32>} : memref<200x128xf32, #tpu.memory_space<vmem>>, vector<1x16xf32>,
          %swap3A_290 = vector.shape_cast %swap3A_289 : vector<1x16xf32> to vector<16xf32>
          %swap3A_291 = vector.shape_cast %get3A_286 : vector<16xf32> to vector<1x16xf32>
          tpu.vector_store %arg8[%swap3A_287, %swap3A_288], %swap3A_291 {add = true, strides = array<i32>} : memref<200x128xf32, #tpu.memory_space<vmem>>, vector<1x16xf32>,
          %get3A_292 = arith.index_cast %add3A_237 : i32 to index
          %get3A_293 = arith.constant 96 : index
          %get3A_294 = tpu.vector_load %arg6[%get3A_292, %get3A_293] {strides = array<i32>} : memref<200x128xf32, #tpu.memory_space<vmem>>, vector<1x16xf32>,
          %get3A_295 = vector.shape_cast %get3A_294 : vector<1x16xf32> to vector<16xf32>
          %swap3A_296 = arith.index_cast %add3A_237 : i32 to index
          %swap3A_297 = arith.constant 96 : index
          %swap3A_298 = tpu.vector_load %arg8[%swap3A_296, %swap3A_297] {strides = array<i32>} : memref<200x128xf32, #tpu.memory_space<vmem>>, vector<1x16xf32>,
          %swap3A_299 = vector.shape_cast %swap3A_298 : vector<1x16xf32> to vector<16xf32>
          %swap3A_300 = vector.shape_cast %get3A_295 : vector<16xf32> to vector<1x16xf32>
          tpu.vector_store %arg8[%swap3A_296, %swap3A_297], %swap3A_300 {add = true, strides = array<i32>} : memref<200x128xf32, #tpu.memory_space<vmem>>, vector<1x16xf32>,
          %get3A_301 = arith.index_cast %add3A_237 : i32 to index
          %get3A_302 = arith.constant 112 : index
          %get3A_303 = tpu.vector_load %arg6[%get3A_301, %get3A_302] {strides = array<i32>} : memref<200x128xf32, #tpu.memory_space<vmem>>, vector<1x16xf32>,
          %get3A_304 = vector.shape_cast %get3A_303 : vector<1x16xf32> to vector<16xf32>
          %swap3A_305 = arith.index_cast %add3A_237 : i32 to index
          %swap3A_306 = arith.constant 112 : index
          %swap3A_307 = tpu.vector_load %arg8[%swap3A_305, %swap3A_306] {strides = array<i32>} : memref<200x128xf32, #tpu.memory_space<vmem>>, vector<1x16xf32>,
          %swap3A_308 = vector.shape_cast %swap3A_307 : vector<1x16xf32> to vector<16xf32>
          %swap3A_309 = vector.shape_cast %get3A_304 : vector<16xf32> to vector<1x16xf32>
          tpu.vector_store %arg8[%swap3A_305, %swap3A_306], %swap3A_309 {add = true, strides = array<i32>} : memref<200x128xf32, #tpu.memory_space<vmem>>, vector<1x16xf32>,
          %mul3A_310 = arith.constant 4 : i32
          %mul3A_311 = arith.muli %scan3A_159, %mul3A_310 : i32
          %add3A_312 = arith.constant 2 : i32
          %add3A_313 = arith.addi %mul3A_311, %add3A_312 : i32
          %get3A_314 = arith.index_cast %add3A_313 : i32 to index
          %get3A_315 = arith.constant 0 : index
          %get3A_316 = tpu.vector_load %arg6[%get3A_314, %get3A_315] {strides = array<i32>} : memref<200x128xf32, #tpu.memory_space<vmem>>, vector<1x16xf32>,
          %get3A_317 = vector.shape_cast %get3A_316 : vector<1x16xf32> to vector<16xf32>
          %swap3A_318 = arith.index_cast %add3A_313 : i32 to index
          %swap3A_319 = arith.constant 0 : index
          %swap3A_320 = tpu.vector_load %arg8[%swap3A_318, %swap3A_319] {strides = array<i32>} : memref<200x128xf32, #tpu.memory_space<vmem>>, vector<1x16xf32>,
          %swap3A_321 = vector.shape_cast %swap3A_320 : vector<1x16xf32> to vector<16xf32>
          %swap3A_322 = vector.shape_cast %get3A_317 : vector<16xf32> to vector<1x16xf32>
          tpu.vector_store %arg8[%swap3A_318, %swap3A_319], %swap3A_322 {add = true, strides = array<i32>} : memref<200x128xf32, #tpu.memory_space<vmem>>, vector<1x16xf32>,
          %get3A_323 = arith.index_cast %add3A_313 : i32 to index
          %get3A_324 = arith.constant 16 : index
          %get3A_325 = tpu.vector_load %arg6[%get3A_323, %get3A_324] {strides = array<i32>} : memref<200x128xf32, #tpu.memory_space<vmem>>, vector<1x16xf32>,
          %get3A_326 = vector.shape_cast %get3A_325 : vector<1x16xf32> to vector<16xf32>
          %swap3A_327 = arith.index_cast %add3A_313 : i32 to index
          %swap3A_328 = arith.constant 16 : index
          %swap3A_329 = tpu.vector_load %arg8[%swap3A_327, %swap3A_328] {strides = array<i32>} : memref<200x128xf32, #tpu.memory_space<vmem>>, vector<1x16xf32>,
          %swap3A_330 = vector.shape_cast %swap3A_329 : vector<1x16xf32> to vector<16xf32>
          %swap3A_331 = vector.shape_cast %get3A_326 : vector<16xf32> to vector<1x16xf32>
          tpu.vector_store %arg8[%swap3A_327, %swap3A_328], %swap3A_331 {add = true, strides = array<i32>} : memref<200x128xf32, #tpu.memory_space<vmem>>, vector<1x16xf32>,
          %get3A_332 = arith.index_cast %add3A_313 : i32 to index
          %get3A_333 = arith.constant 32 : index
          %get3A_334 = tpu.vector_load %arg6[%get3A_332, %get3A_333] {strides = array<i32>} : memref<200x128xf32, #tpu.memory_space<vmem>>, vector<1x16xf32>,
          %get3A_335 = vector.shape_cast %get3A_334 : vector<1x16xf32> to vector<16xf32>
          %swap3A_336 = arith.index_cast %add3A_313 : i32 to index
          %swap3A_337 = arith.constant 32 : index
          %swap3A_338 = tpu.vector_load %arg8[%swap3A_336, %swap3A_337] {strides = array<i32>} : memref<200x128xf32, #tpu.memory_space<vmem>>, vector<1x16xf32>,
          %swap3A_339 = vector.shape_cast %swap3A_338 : vector<1x16xf32> to vector<16xf32>
          %swap3A_340 = vector.shape_cast %get3A_335 : vector<16xf32> to vector<1x16xf32>
          tpu.vector_store %arg8[%swap3A_336, %swap3A_337], %swap3A_340 {add = true, strides = array<i32>} : memref<200x128xf32, #tpu.memory_space<vmem>>, vector<1x16xf32>,
          %get3A_341 = arith.index_cast %add3A_313 : i32 to index
          %get3A_342 = arith.constant 48 : index
          %get3A_343 = tpu.vector_load %arg6[%get3A_341, %get3A_342] {strides = array<i32>} : memref<200x128xf32, #tpu.memory_space<vmem>>, vector<1x16xf32>,
          %get3A_344 = vector.shape_cast %get3A_343 : vector<1x16xf32> to vector<16xf32>
          %swap3A_345 = arith.index_cast %add3A_313 : i32 to index
          %swap3A_346 = arith.constant 48 : index
          %swap3A_347 = tpu.vector_load %arg8[%swap3A_345, %swap3A_346] {strides = array<i32>} : memref<200x128xf32, #tpu.memory_space<vmem>>, vector<1x16xf32>,
          %swap3A_348 = vector.shape_cast %swap3A_347 : vector<1x16xf32> to vector<16xf32>
          %swap3A_349 = vector.shape_cast %get3A_344 : vector<16xf32> to vector<1x16xf32>
          tpu.vector_store %arg8[%swap3A_345, %swap3A_346], %swap3A_349 {add = true, strides = array<i32>} : memref<200x128xf32, #tpu.memory_space<vmem>>, vector<1x16xf32>,
          %get3A_350 = arith.index_cast %add3A_313 : i32 to index
          %get3A_351 = arith.constant 64 : index
          %get3A_352 = tpu.vector_load %arg6[%get3A_350, %get3A_351] {strides = array<i32>} : memref<200x128xf32, #tpu.memory_space<vmem>>, vector<1x16xf32>,
          %get3A_353 = vector.shape_cast %get3A_352 : vector<1x16xf32> to vector<16xf32>
          %swap3A_354 = arith.index_cast %add3A_313 : i32 to index
          %swap3A_355 = arith.constant 64 : index
          %swap3A_356 = tpu.vector_load %arg8[%swap3A_354, %swap3A_355] {strides = array<i32>} : memref<200x128xf32, #tpu.memory_space<vmem>>, vector<1x16xf32>,
          %swap3A_357 = vector.shape_cast %swap3A_356 : vector<1x16xf32> to vector<16xf32>
          %swap3A_358 = vector.shape_cast %get3A_353 : vector<16xf32> to vector<1x16xf32>
          tpu.vector_store %arg8[%swap3A_354, %swap3A_355], %swap3A_358 {add = true, strides = array<i32>} : memref<200x128xf32, #tpu.memory_space<vmem>>, vector<1x16xf32>,
          %get3A_359 = arith.index_cast %add3A_313 : i32 to index
          %get3A_360 = arith.constant 80 : index
          %get3A_361 = tpu.vector_load %arg6[%get3A_359, %get3A_360] {strides = array<i32>} : memref<200x128xf32, #tpu.memory_space<vmem>>, vector<1x16xf32>,
          %get3A_362 = vector.shape_cast %get3A_361 : vector<1x16xf32> to vector<16xf32>
          %swap3A_363 = arith.index_cast %add3A_313 : i32 to index
          %swap3A_364 = arith.constant 80 : index
          %swap3A_365 = tpu.vector_load %arg8[%swap3A_363, %swap3A_364] {strides = array<i32>} : memref<200x128xf32, #tpu.memory_space<vmem>>, vector<1x16xf32>,
          %swap3A_366 = vector.shape_cast %swap3A_365 : vector<1x16xf32> to vector<16xf32>
          %swap3A_367 = vector.shape_cast %get3A_362 : vector<16xf32> to vector<1x16xf32>
          tpu.vector_store %arg8[%swap3A_363, %swap3A_364], %swap3A_367 {add = true, strides = array<i32>} : memref<200x128xf32, #tpu.memory_space<vmem>>, vector<1x16xf32>,
          %get3A_368 = arith.index_cast %add3A_313 : i32 to index
          %get3A_369 = arith.constant 96 : index
          %get3A_370 = tpu.vector_load %arg6[%get3A_368, %get3A_369] {strides = array<i32>} : memref<200x128xf32, #tpu.memory_space<vmem>>, vector<1x16xf32>,
          %get3A_371 = vector.shape_cast %get3A_370 : vector<1x16xf32> to vector<16xf32>
          %swap3A_372 = arith.index_cast %add3A_313 : i32 to index
          %swap3A_373 = arith.constant 96 : index
          %swap3A_374 = tpu.vector_load %arg8[%swap3A_372, %swap3A_373] {strides = array<i32>} : memref<200x128xf32, #tpu.memory_space<vmem>>, vector<1x16xf32>,
          %swap3A_375 = vector.shape_cast %swap3A_374 : vector<1x16xf32> to vector<16xf32>
          %swap3A_376 = vector.shape_cast %get3A_371 : vector<16xf32> to vector<1x16xf32>
          tpu.vector_store %arg8[%swap3A_372, %swap3A_373], %swap3A_376 {add = true, strides = array<i32>} : memref<200x128xf32, #tpu.memory_space<vmem>>, vector<1x16xf32>,
          %get3A_377 = arith.index_cast %add3A_313 : i32 to index
          %get3A_378 = arith.constant 112 : index
          %get3A_379 = tpu.vector_load %arg6[%get3A_377, %get3A_378] {strides = array<i32>} : memref<200x128xf32, #tpu.memory_space<vmem>>, vector<1x16xf32>,
          %get3A_380 = vector.shape_cast %get3A_379 : vector<1x16xf32> to vector<16xf32>
          %swap3A_381 = arith.index_cast %add3A_313 : i32 to index
          %swap3A_382 = arith.constant 112 : index
          %swap3A_383 = tpu.vector_load %arg8[%swap3A_381, %swap3A_382] {strides = array<i32>} : memref<200x128xf32, #tpu.memory_space<vmem>>, vector<1x16xf32>,
          %swap3A_384 = vector.shape_cast %swap3A_383 : vector<1x16xf32> to vector<16xf32>
          %swap3A_385 = vector.shape_cast %get3A_380 : vector<16xf32> to vector<1x16xf32>
          tpu.vector_store %arg8[%swap3A_381, %swap3A_382], %swap3A_385 {add = true, strides = array<i32>} : memref<200x128xf32, #tpu.memory_space<vmem>>, vector<1x16xf32>,
          %mul3A_386 = arith.constant 4 : i32
          %mul3A_387 = arith.muli %scan3A_159, %mul3A_386 : i32
          %add3A_388 = arith.constant 3 : i32
          %add3A_389 = arith.addi %mul3A_387, %add3A_388 : i32
          %get3A_390 = arith.index_cast %add3A_389 : i32 to index
          %get3A_391 = arith.constant 0 : index
          %get3A_392 = tpu.vector_load %arg6[%get3A_390, %get3A_391] {strides = array<i32>} : memref<200x128xf32, #tpu.memory_space<vmem>>, vector<1x16xf32>,
          %get3A_393 = vector.shape_cast %get3A_392 : vector<1x16xf32> to vector<16xf32>
          %swap3A_394 = arith.index_cast %add3A_389 : i32 to index
          %swap3A_395 = arith.constant 0 : index
          %swap3A_396 = tpu.vector_load %arg8[%swap3A_394, %swap3A_395] {strides = array<i32>} : memref<200x128xf32, #tpu.memory_space<vmem>>, vector<1x16xf32>,
          %swap3A_397 = vector.shape_cast %swap3A_396 : vector<1x16xf32> to vector<16xf32>
          %swap3A_398 = vector.shape_cast %get3A_393 : vector<16xf32> to vector<1x16xf32>
          tpu.vector_store %arg8[%swap3A_394, %swap3A_395], %swap3A_398 {add = true, strides = array<i32>} : memref<200x128xf32, #tpu.memory_space<vmem>>, vector<1x16xf32>,
          %get3A_399 = arith.index_cast %add3A_389 : i32 to index
          %get3A_400 = arith.constant 16 : index
          %get3A_401 = tpu.vector_load %arg6[%get3A_399, %get3A_400] {strides = array<i32>} : memref<200x128xf32, #tpu.memory_space<vmem>>, vector<1x16xf32>,
          %get3A_402 = vector.shape_cast %get3A_401 : vector<1x16xf32> to vector<16xf32>
          %swap3A_403 = arith.index_cast %add3A_389 : i32 to index
          %swap3A_404 = arith.constant 16 : index
          %swap3A_405 = tpu.vector_load %arg8[%swap3A_403, %swap3A_404] {strides = array<i32>} : memref<200x128xf32, #tpu.memory_space<vmem>>, vector<1x16xf32>,
          %swap3A_406 = vector.shape_cast %swap3A_405 : vector<1x16xf32> to vector<16xf32>
          %swap3A_407 = vector.shape_cast %get3A_402 : vector<16xf32> to vector<1x16xf32>
          tpu.vector_store %arg8[%swap3A_403, %swap3A_404], %swap3A_407 {add = true, strides = array<i32>} : memref<200x128xf32, #tpu.memory_space<vmem>>, vector<1x16xf32>,
          %get3A_408 = arith.index_cast %add3A_389 : i32 to index
          %get3A_409 = arith.constant 32 : index
          %get3A_410 = tpu.vector_load %arg6[%get3A_408, %get3A_409] {strides = array<i32>} : memref<200x128xf32, #tpu.memory_space<vmem>>, vector<1x16xf32>,
          %get3A_411 = vector.shape_cast %get3A_410 : vector<1x16xf32> to vector<16xf32>
          %swap3A_412 = arith.index_cast %add3A_389 : i32 to index
          %swap3A_413 = arith.constant 32 : index
          %swap3A_414 = tpu.vector_load %arg8[%swap3A_412, %swap3A_413] {strides = array<i32>} : memref<200x128xf32, #tpu.memory_space<vmem>>, vector<1x16xf32>,
          %swap3A_415 = vector.shape_cast %swap3A_414 : vector<1x16xf32> to vector<16xf32>
          %swap3A_416 = vector.shape_cast %get3A_411 : vector<16xf32> to vector<1x16xf32>
          tpu.vector_store %arg8[%swap3A_412, %swap3A_413], %swap3A_416 {add = true, strides = array<i32>} : memref<200x128xf32, #tpu.memory_space<vmem>>, vector<1x16xf32>,
          %get3A_417 = arith.index_cast %add3A_389 : i32 to index
          %get3A_418 = arith.constant 48 : index
          %get3A_419 = tpu.vector_load %arg6[%get3A_417, %get3A_418] {strides = array<i32>} : memref<200x128xf32, #tpu.memory_space<vmem>>, vector<1x16xf32>,
          %get3A_420 = vector.shape_cast %get3A_419 : vector<1x16xf32> to vector<16xf32>
          %swap3A_421 = arith.index_cast %add3A_389 : i32 to index
          %swap3A_422 = arith.constant 48 : index
          %swap3A_423 = tpu.vector_load %arg8[%swap3A_421, %swap3A_422] {strides = array<i32>} : memref<200x128xf32, #tpu.memory_space<vmem>>, vector<1x16xf32>,
          %swap3A_424 = vector.shape_cast %swap3A_423 : vector<1x16xf32> to vector<16xf32>
          %swap3A_425 = vector.shape_cast %get3A_420 : vector<16xf32> to vector<1x16xf32>
          tpu.vector_store %arg8[%swap3A_421, %swap3A_422], %swap3A_425 {add = true, strides = array<i32>} : memref<200x128xf32, #tpu.memory_space<vmem>>, vector<1x16xf32>,
          %get3A_426 = arith.index_cast %add3A_389 : i32 to index
          %get3A_427 = arith.constant 64 : index
          %get3A_428 = tpu.vector_load %arg6[%get3A_426, %get3A_427] {strides = array<i32>} : memref<200x128xf32, #tpu.memory_space<vmem>>, vector<1x16xf32>,
          %get3A_429 = vector.shape_cast %get3A_428 : vector<1x16xf32> to vector<16xf32>
          %swap3A_430 = arith.index_cast %add3A_389 : i32 to index
          %swap3A_431 = arith.constant 64 : index
          %swap3A_432 = tpu.vector_load %arg8[%swap3A_430, %swap3A_431] {strides = array<i32>} : memref<200x128xf32, #tpu.memory_space<vmem>>, vector<1x16xf32>,
          %swap3A_433 = vector.shape_cast %swap3A_432 : vector<1x16xf32> to vector<16xf32>
          %swap3A_434 = vector.shape_cast %get3A_429 : vector<16xf32> to vector<1x16xf32>
          tpu.vector_store %arg8[%swap3A_430, %swap3A_431], %swap3A_434 {add = true, strides = array<i32>} : memref<200x128xf32, #tpu.memory_space<vmem>>, vector<1x16xf32>,
          %get3A_435 = arith.index_cast %add3A_389 : i32 to index
          %get3A_436 = arith.constant 80 : index
          %get3A_437 = tpu.vector_load %arg6[%get3A_435, %get3A_436] {strides = array<i32>} : memref<200x128xf32, #tpu.memory_space<vmem>>, vector<1x16xf32>,
          %get3A_438 = vector.shape_cast %get3A_437 : vector<1x16xf32> to vector<16xf32>
          %swap3A_439 = arith.index_cast %add3A_389 : i32 to index
          %swap3A_440 = arith.constant 80 : index
          %swap3A_441 = tpu.vector_load %arg8[%swap3A_439, %swap3A_440] {strides = array<i32>} : memref<200x128xf32, #tpu.memory_space<vmem>>, vector<1x16xf32>,
          %swap3A_442 = vector.shape_cast %swap3A_441 : vector<1x16xf32> to vector<16xf32>
          %swap3A_443 = vector.shape_cast %get3A_438 : vector<16xf32> to vector<1x16xf32>
          tpu.vector_store %arg8[%swap3A_439, %swap3A_440], %swap3A_443 {add = true, strides = array<i32>} : memref<200x128xf32, #tpu.memory_space<vmem>>, vector<1x16xf32>,
          %get3A_444 = arith.index_cast %add3A_389 : i32 to index
          %get3A_445 = arith.constant 96 : index
          %get3A_446 = tpu.vector_load %arg6[%get3A_444, %get3A_445] {strides = array<i32>} : memref<200x128xf32, #tpu.memory_space<vmem>>, vector<1x16xf32>,
          %get3A_447 = vector.shape_cast %get3A_446 : vector<1x16xf32> to vector<16xf32>
          %swap3A_448 = arith.index_cast %add3A_389 : i32 to index
          %swap3A_449 = arith.constant 96 : index
          %swap3A_450 = tpu.vector_load %arg8[%swap3A_448, %swap3A_449] {strides = array<i32>} : memref<200x128xf32, #tpu.memory_space<vmem>>, vector<1x16xf32>,
          %swap3A_451 = vector.shape_cast %swap3A_450 : vector<1x16xf32> to vector<16xf32>
          %swap3A_452 = vector.shape_cast %get3A_447 : vector<16xf32> to vector<1x16xf32>
          tpu.vector_store %arg8[%swap3A_448, %swap3A_449], %swap3A_452 {add = true, strides = array<i32>} : memref<200x128xf32, #tpu.memory_space<vmem>>, vector<1x16xf32>,
          %get3A_453 = arith.index_cast %add3A_389 : i32 to index
          %get3A_454 = arith.constant 112 : index
          %get3A_455 = tpu.vector_load %arg6[%get3A_453, %get3A_454] {strides = array<i32>} : memref<200x128xf32, #tpu.memory_space<vmem>>, vector<1x16xf32>,
          %get3A_456 = vector.shape_cast %get3A_455 : vector<1x16xf32> to vector<16xf32>
          %swap3A_457 = arith.index_cast %add3A_389 : i32 to index
          %swap3A_458 = arith.constant 112 : index
          %swap3A_459 = tpu.vector_load %arg8[%swap3A_457, %swap3A_458] {strides = array<i32>} : memref<200x128xf32, #tpu.memory_space<vmem>>, vector<1x16xf32>,
          %swap3A_460 = vector.shape_cast %swap3A_459 : vector<1x16xf32> to vector<16xf32>
          %swap3A_461 = vector.shape_cast %get3A_456 : vector<16xf32> to vector<1x16xf32>
          tpu.vector_store %arg8[%swap3A_457, %swap3A_458], %swap3A_461 {add = true, strides = array<i32>} : memref<200x128xf32, #tpu.memory_space<vmem>>, vector<1x16xf32>,
        }
        %scan3A_158 = arith.constant 50 : i32
      } else {
      }
      %ge3A_92 = arith.constant 1 : i32
      %ge3A_93 = arith.cmpi sge, %add3A_74, %ge3A_92 : i32
      %lt3A_94 = arith.constant 129 : i32
      %lt3A_95 = arith.cmpi slt, %add3A_74, %lt3A_94 : i32
      %and3A_96 = arith.andi %ge3A_93, %lt3A_95 : i1
      %convert_element_type3A_97 = arith.extui %and3A_96 : i1 to i32
      %cond3A_98 = arith.constant 0 : i32
      %cond3A_99 = arith.cmpi ne, %convert_element_type3A_97, %cond3A_98 : i32
      scf.if %cond3A_99 {
        %dma_wait3A_153 = arith.constant 0 : i32
        %dma_wait3A_154 = tpu.memref_slice %arg5[%mul3A_4, %dma_wait3A_153] : memref<819200x128xf32, #tpu.memory_space<hbm>> -> memref<200x128xf32, #tpu.memory_space<hbm>>
        %dma_wait3A_155 = arith.constant 0 : i32
        %dma_wait3A_156 = tpu.memref_slice %arg5[%mul3A_4, %dma_wait3A_155] : memref<819200x128xf32, #tpu.memory_space<hbm>> -> memref<200x128xf32, #tpu.memory_space<hbm>>
        tpu.wait_dma2 semaphore(%arg17 : memref<!tpu.dma_semaphore, #tpu.memory_space<semaphore_mem>>) src(%arg7 : memref<200x128xf32, #tpu.memory_space<vmem>>) dst(%dma_wait3A_156 : memref<200x128xf32, #tpu.memory_space<hbm>>)
      } else {
      }
      %add3A_100 = arith.constant 2 : i32
      %add3A_101 = arith.addi %add3A_74, %add3A_100 : i32
      %lt3A_102 = arith.constant 128 : i32
      %lt3A_103 = arith.cmpi slt, %add3A_101, %lt3A_102 : i32
      %convert_element_type3A_104 = arith.extui %lt3A_103 : i1 to i32
      %cond3A_105 = arith.constant 0 : i32
      %cond3A_106 = arith.cmpi ne, %convert_element_type3A_104, %cond3A_105 : i32
      scf.if %cond3A_106 {
        %dma_wait3A_153 = tpu.memref_slice %arg2[%mul3A_4] : memref<819200xi32, #tpu.memory_space<hbm>> -> memref<200xi32, #tpu.memory_space<hbm>>
        %dma_wait3A_154 = tpu.memref_slice %arg2[%mul3A_4] : memref<819200xi32, #tpu.memory_space<hbm>> -> memref<200xi32, #tpu.memory_space<hbm>>
        tpu.wait_dma2 semaphore(%arg20 : memref<!tpu.dma_semaphore, #tpu.memory_space<semaphore_mem>>) src(%dma_wait3A_154 : memref<200xi32, #tpu.memory_space<hbm>>) dst(%arg10 : memref<200xi32, #tpu.memory_space<vmem>>)
        %dma_start3A_155 = arith.constant 0 : i32
        %dma_start3A_156 = arith.constant 0 : i32
        %dma_start3A_157 = tpu.memref_slice %arg13[%dma_start3A_155, %dma_start3A_156] : memref<1000x128xf32, #tpu.memory_space<vmem_shared>> -> memref<1000x128xf32, #tpu.memory_space<vmem_shared>>
        tpu.enqueue_indirect_dma source(%dma_start3A_157 : memref<1000x128xf32, #tpu.memory_space<vmem_shared>>) target(%arg7 : memref<200x128xf32, #tpu.memory_space<vmem>>) offsets(%arg10 : memref<200xi32, #tpu.memory_space<vmem>>) semaphore(%arg14 : memref<!tpu.dma_semaphore, #tpu.memory_space<semaphore_mem>>)
      } else {
      }
      %lt3A_107 = arith.constant 128 : i32
      %lt3A_108 = arith.cmpi slt, %add3A_74, %lt3A_107 : i32
      %convert_element_type3A_109 = arith.extui %lt3A_108 : i1 to i32
      %cond3A_110 = arith.constant 0 : i32
      %cond3A_111 = arith.cmpi ne, %convert_element_type3A_109, %cond3A_110 : i32
      scf.if %cond3A_111 {
        %mul3A_153 = arith.constant 200 : i32
        %mul3A_154 = arith.muli %add3A_74, %mul3A_153 : i32
        %add3A_155 = arith.addi %mul3A_4, %mul3A_154 : i32
        %dma_start3A_156 = arith.constant 0 : i32
        %dma_start3A_157 = tpu.memref_slice %arg5[%add3A_155, %dma_start3A_156] : memref<819200x128xf32, #tpu.memory_space<hbm>> -> memref<200x128xf32, #tpu.memory_space<hbm>>
        %dma_start3A_158 = arith.constant 0 : i32
        %dma_start3A_159 = tpu.memref_slice %arg5[%add3A_155, %dma_start3A_158] : memref<819200x128xf32, #tpu.memory_space<hbm>> -> memref<200x128xf32, #tpu.memory_space<hbm>>
        tpu.enqueue_dma source(%arg8 : memref<200x128xf32, #tpu.memory_space<vmem>>) target(%dma_start3A_159 : memref<200x128xf32, #tpu.memory_space<hbm>>) target_semaphore(%arg18 : memref<!tpu.dma_semaphore, #tpu.memory_space<semaphore_mem>>)
      } else {
      }
      %mul3A_112 = arith.constant 3 : i32
      %mul3A_113 = arith.muli %mul3A_112, %scan3A_32 : i32
      %add3A_114 = arith.constant 2 : i32
      %add3A_115 = arith.addi %mul3A_113, %add3A_114 : i32
      %lt3A_116 = arith.constant 128 : i32
      %lt3A_117 = arith.cmpi slt, %add3A_115, %lt3A_116 : i32
      %convert_element_type3A_118 = arith.extui %lt3A_117 : i1 to i32
      %cond3A_119 = arith.constant 0 : i32
      %cond3A_120 = arith.cmpi ne, %convert_element_type3A_118, %cond3A_119 : i32
      scf.if %cond3A_120 {
        %dma_wait3A_153 = arith.constant 0 : i32
        %dma_wait3A_154 = arith.constant 0 : i32
        %dma_wait3A_155 = tpu.memref_slice %arg13[%dma_wait3A_153, %dma_wait3A_154] : memref<1000x128xf32, #tpu.memory_space<vmem_shared>> -> memref<1000x128xf32, #tpu.memory_space<vmem_shared>>
        tpu.wait_indirect_dma semaphore(%arg16 : memref<!tpu.dma_semaphore, #tpu.memory_space<semaphore_mem>>) src(%dma_wait3A_155 : memref<1000x128xf32, #tpu.memory_space<vmem_shared>>) dst(%arg9 : memref<200x128xf32, #tpu.memory_space<vmem>>)
      } else {
      }
      %add3A_121 = arith.constant 3 : i32
      %add3A_122 = arith.addi %add3A_115, %add3A_121 : i32
      %lt3A_123 = arith.constant 128 : i32
      %lt3A_124 = arith.cmpi slt, %add3A_122, %lt3A_123 : i32
      %convert_element_type3A_125 = arith.extui %lt3A_124 : i1 to i32
      %cond3A_126 = arith.constant 0 : i32
      %cond3A_127 = arith.cmpi ne, %convert_element_type3A_125, %cond3A_126 : i32
      scf.if %cond3A_127 {
        %add3A_153 = arith.constant 3 : i32
        %add3A_154 = arith.addi %add3A_115, %add3A_153 : i32
        %mul3A_155 = arith.constant 200 : i32
        %mul3A_156 = arith.muli %add3A_154, %mul3A_155 : i32
        %add3A_157 = arith.addi %mul3A_4, %mul3A_156 : i32
        %dma_start3A_158 = tpu.memref_slice %arg2[%add3A_157] : memref<819200xi32, #tpu.memory_space<hbm>> -> memref<200xi32, #tpu.memory_space<hbm>>
        %dma_start3A_159 = tpu.memref_slice %arg2[%add3A_157] : memref<819200xi32, #tpu.memory_space<hbm>> -> memref<200xi32, #tpu.memory_space<hbm>>
        tpu.enqueue_dma source(%dma_start3A_159 : memref<200xi32, #tpu.memory_space<hbm>>) target(%arg12 : memref<200xi32, #tpu.memory_space<vmem>>) target_semaphore(%arg22 : memref<!tpu.dma_semaphore, #tpu.memory_space<semaphore_mem>>)
      } else {
      }
      %lt3A_128 = arith.constant 128 : i32
      %lt3A_129 = arith.cmpi slt, %add3A_115, %lt3A_128 : i32
      %convert_element_type3A_130 = arith.extui %lt3A_129 : i1 to i32
      %cond3A_131 = arith.constant 0 : i32
      %cond3A_132 = arith.cmpi ne, %convert_element_type3A_130, %cond3A_131 : i32
      scf.if %cond3A_132 {
        %scan3A_153 = arith.constant 0 : i32
        %scan3A_154 = arith.constant 0 : i32
        %scan3A_155 = arith.constant 50 : i32
        %scan3A_156 = arith.addi %scan3A_154, %scan3A_155 : i32
        %scan3A_157 = arith.constant 1 : i32
        scf.for %scan3A_159 = %scan3A_154 to %scan3A_156 step %scan3A_157  : i32 {
          %mul3A_160 = arith.constant 4 : i32
          %mul3A_161 = arith.muli %scan3A_159, %mul3A_160 : i32
          %add3A_162 = arith.constant 0 : i32
          %add3A_163 = arith.addi %mul3A_161, %add3A_162 : i32
          %get3A = arith.index_cast %add3A_163 : i32 to index
          %get3A_164 = arith.constant 0 : index
          %get3A_165 = tpu.vector_load %arg6[%get3A, %get3A_164] {strides = array<i32>} : memref<200x128xf32, #tpu.memory_space<vmem>>, vector<1x16xf32>,
          %get3A_166 = vector.shape_cast %get3A_165 : vector<1x16xf32> to vector<16xf32>
          %swap3A = arith.index_cast %add3A_163 : i32 to index
          %swap3A_167 = arith.constant 0 : index
          %swap3A_168 = tpu.vector_load %arg9[%swap3A, %swap3A_167] {strides = array<i32>} : memref<200x128xf32, #tpu.memory_space<vmem>>, vector<1x16xf32>,
          %swap3A_169 = vector.shape_cast %swap3A_168 : vector<1x16xf32> to vector<16xf32>
          %swap3A_170 = vector.shape_cast %get3A_166 : vector<16xf32> to vector<1x16xf32>
          tpu.vector_store %arg9[%swap3A, %swap3A_167], %swap3A_170 {add = true, strides = array<i32>} : memref<200x128xf32, #tpu.memory_space<vmem>>, vector<1x16xf32>,
          %get3A_171 = arith.index_cast %add3A_163 : i32 to index
          %get3A_172 = arith.constant 16 : index
          %get3A_173 = tpu.vector_load %arg6[%get3A_171, %get3A_172] {strides = array<i32>} : memref<200x128xf32, #tpu.memory_space<vmem>>, vector<1x16xf32>,
          %get3A_174 = vector.shape_cast %get3A_173 : vector<1x16xf32> to vector<16xf32>
          %swap3A_175 = arith.index_cast %add3A_163 : i32 to index
          %swap3A_176 = arith.constant 16 : index
          %swap3A_177 = tpu.vector_load %arg9[%swap3A_175, %swap3A_176] {strides = array<i32>} : memref<200x128xf32, #tpu.memory_space<vmem>>, vector<1x16xf32>,
          %swap3A_178 = vector.shape_cast %swap3A_177 : vector<1x16xf32> to vector<16xf32>
          %swap3A_179 = vector.shape_cast %get3A_174 : vector<16xf32> to vector<1x16xf32>
          tpu.vector_store %arg9[%swap3A_175, %swap3A_176], %swap3A_179 {add = true, strides = array<i32>} : memref<200x128xf32, #tpu.memory_space<vmem>>, vector<1x16xf32>,
          %get3A_180 = arith.index_cast %add3A_163 : i32 to index
          %get3A_181 = arith.constant 32 : index
          %get3A_182 = tpu.vector_load %arg6[%get3A_180, %get3A_181] {strides = array<i32>} : memref<200x128xf32, #tpu.memory_space<vmem>>, vector<1x16xf32>,
          %get3A_183 = vector.shape_cast %get3A_182 : vector<1x16xf32> to vector<16xf32>
          %swap3A_184 = arith.index_cast %add3A_163 : i32 to index
          %swap3A_185 = arith.constant 32 : index
          %swap3A_186 = tpu.vector_load %arg9[%swap3A_184, %swap3A_185] {strides = array<i32>} : memref<200x128xf32, #tpu.memory_space<vmem>>, vector<1x16xf32>,
          %swap3A_187 = vector.shape_cast %swap3A_186 : vector<1x16xf32> to vector<16xf32>
          %swap3A_188 = vector.shape_cast %get3A_183 : vector<16xf32> to vector<1x16xf32>
          tpu.vector_store %arg9[%swap3A_184, %swap3A_185], %swap3A_188 {add = true, strides = array<i32>} : memref<200x128xf32, #tpu.memory_space<vmem>>, vector<1x16xf32>,
          %get3A_189 = arith.index_cast %add3A_163 : i32 to index
          %get3A_190 = arith.constant 48 : index
          %get3A_191 = tpu.vector_load %arg6[%get3A_189, %get3A_190] {strides = array<i32>} : memref<200x128xf32, #tpu.memory_space<vmem>>, vector<1x16xf32>,
          %get3A_192 = vector.shape_cast %get3A_191 : vector<1x16xf32> to vector<16xf32>
          %swap3A_193 = arith.index_cast %add3A_163 : i32 to index
          %swap3A_194 = arith.constant 48 : index
          %swap3A_195 = tpu.vector_load %arg9[%swap3A_193, %swap3A_194] {strides = array<i32>} : memref<200x128xf32, #tpu.memory_space<vmem>>, vector<1x16xf32>,
          %swap3A_196 = vector.shape_cast %swap3A_195 : vector<1x16xf32> to vector<16xf32>
          %swap3A_197 = vector.shape_cast %get3A_192 : vector<16xf32> to vector<1x16xf32>
          tpu.vector_store %arg9[%swap3A_193, %swap3A_194], %swap3A_197 {add = true, strides = array<i32>} : memref<200x128xf32, #tpu.memory_space<vmem>>, vector<1x16xf32>,
          %get3A_198 = arith.index_cast %add3A_163 : i32 to index
          %get3A_199 = arith.constant 64 : index
          %get3A_200 = tpu.vector_load %arg6[%get3A_198, %get3A_199] {strides = array<i32>} : memref<200x128xf32, #tpu.memory_space<vmem>>, vector<1x16xf32>,
          %get3A_201 = vector.shape_cast %get3A_200 : vector<1x16xf32> to vector<16xf32>
          %swap3A_202 = arith.index_cast %add3A_163 : i32 to index
          %swap3A_203 = arith.constant 64 : index
          %swap3A_204 = tpu.vector_load %arg9[%swap3A_202, %swap3A_203] {strides = array<i32>} : memref<200x128xf32, #tpu.memory_space<vmem>>, vector<1x16xf32>,
          %swap3A_205 = vector.shape_cast %swap3A_204 : vector<1x16xf32> to vector<16xf32>
          %swap3A_206 = vector.shape_cast %get3A_201 : vector<16xf32> to vector<1x16xf32>
          tpu.vector_store %arg9[%swap3A_202, %swap3A_203], %swap3A_206 {add = true, strides = array<i32>} : memref<200x128xf32, #tpu.memory_space<vmem>>, vector<1x16xf32>,
          %get3A_207 = arith.index_cast %add3A_163 : i32 to index
          %get3A_208 = arith.constant 80 : index
          %get3A_209 = tpu.vector_load %arg6[%get3A_207, %get3A_208] {strides = array<i32>} : memref<200x128xf32, #tpu.memory_space<vmem>>, vector<1x16xf32>,
          %get3A_210 = vector.shape_cast %get3A_209 : vector<1x16xf32> to vector<16xf32>
          %swap3A_211 = arith.index_cast %add3A_163 : i32 to index
          %swap3A_212 = arith.constant 80 : index
          %swap3A_213 = tpu.vector_load %arg9[%swap3A_211, %swap3A_212] {strides = array<i32>} : memref<200x128xf32, #tpu.memory_space<vmem>>, vector<1x16xf32>,
          %swap3A_214 = vector.shape_cast %swap3A_213 : vector<1x16xf32> to vector<16xf32>
          %swap3A_215 = vector.shape_cast %get3A_210 : vector<16xf32> to vector<1x16xf32>
          tpu.vector_store %arg9[%swap3A_211, %swap3A_212], %swap3A_215 {add = true, strides = array<i32>} : memref<200x128xf32, #tpu.memory_space<vmem>>, vector<1x16xf32>,
          %get3A_216 = arith.index_cast %add3A_163 : i32 to index
          %get3A_217 = arith.constant 96 : index
          %get3A_218 = tpu.vector_load %arg6[%get3A_216, %get3A_217] {strides = array<i32>} : memref<200x128xf32, #tpu.memory_space<vmem>>, vector<1x16xf32>,
          %get3A_219 = vector.shape_cast %get3A_218 : vector<1x16xf32> to vector<16xf32>
          %swap3A_220 = arith.index_cast %add3A_163 : i32 to index
          %swap3A_221 = arith.constant 96 : index
          %swap3A_222 = tpu.vector_load %arg9[%swap3A_220, %swap3A_221] {strides = array<i32>} : memref<200x128xf32, #tpu.memory_space<vmem>>, vector<1x16xf32>,
          %swap3A_223 = vector.shape_cast %swap3A_222 : vector<1x16xf32> to vector<16xf32>
          %swap3A_224 = vector.shape_cast %get3A_219 : vector<16xf32> to vector<1x16xf32>
          tpu.vector_store %arg9[%swap3A_220, %swap3A_221], %swap3A_224 {add = true, strides = array<i32>} : memref<200x128xf32, #tpu.memory_space<vmem>>, vector<1x16xf32>,
          %get3A_225 = arith.index_cast %add3A_163 : i32 to index
          %get3A_226 = arith.constant 112 : index
          %get3A_227 = tpu.vector_load %arg6[%get3A_225, %get3A_226] {strides = array<i32>} : memref<200x128xf32, #tpu.memory_space<vmem>>, vector<1x16xf32>,
          %get3A_228 = vector.shape_cast %get3A_227 : vector<1x16xf32> to vector<16xf32>
          %swap3A_229 = arith.index_cast %add3A_163 : i32 to index
          %swap3A_230 = arith.constant 112 : index
          %swap3A_231 = tpu.vector_load %arg9[%swap3A_229, %swap3A_230] {strides = array<i32>} : memref<200x128xf32, #tpu.memory_space<vmem>>, vector<1x16xf32>,
          %swap3A_232 = vector.shape_cast %swap3A_231 : vector<1x16xf32> to vector<16xf32>
          %swap3A_233 = vector.shape_cast %get3A_228 : vector<16xf32> to vector<1x16xf32>
          tpu.vector_store %arg9[%swap3A_229, %swap3A_230], %swap3A_233 {add = true, strides = array<i32>} : memref<200x128xf32, #tpu.memory_space<vmem>>, vector<1x16xf32>,
          %mul3A_234 = arith.constant 4 : i32
          %mul3A_235 = arith.muli %scan3A_159, %mul3A_234 : i32
          %add3A_236 = arith.constant 1 : i32
          %add3A_237 = arith.addi %mul3A_235, %add3A_236 : i32
          %get3A_238 = arith.index_cast %add3A_237 : i32 to index
          %get3A_239 = arith.constant 0 : index
          %get3A_240 = tpu.vector_load %arg6[%get3A_238, %get3A_239] {strides = array<i32>} : memref<200x128xf32, #tpu.memory_space<vmem>>, vector<1x16xf32>,
          %get3A_241 = vector.shape_cast %get3A_240 : vector<1x16xf32> to vector<16xf32>
          %swap3A_242 = arith.index_cast %add3A_237 : i32 to index
          %swap3A_243 = arith.constant 0 : index
          %swap3A_244 = tpu.vector_load %arg9[%swap3A_242, %swap3A_243] {strides = array<i32>} : memref<200x128xf32, #tpu.memory_space<vmem>>, vector<1x16xf32>,
          %swap3A_245 = vector.shape_cast %swap3A_244 : vector<1x16xf32> to vector<16xf32>
          %swap3A_246 = vector.shape_cast %get3A_241 : vector<16xf32> to vector<1x16xf32>
          tpu.vector_store %arg9[%swap3A_242, %swap3A_243], %swap3A_246 {add = true, strides = array<i32>} : memref<200x128xf32, #tpu.memory_space<vmem>>, vector<1x16xf32>,
          %get3A_247 = arith.index_cast %add3A_237 : i32 to index
          %get3A_248 = arith.constant 16 : index
          %get3A_249 = tpu.vector_load %arg6[%get3A_247, %get3A_248] {strides = array<i32>} : memref<200x128xf32, #tpu.memory_space<vmem>>, vector<1x16xf32>,
          %get3A_250 = vector.shape_cast %get3A_249 : vector<1x16xf32> to vector<16xf32>
          %swap3A_251 = arith.index_cast %add3A_237 : i32 to index
          %swap3A_252 = arith.constant 16 : index
          %swap3A_253 = tpu.vector_load %arg9[%swap3A_251, %swap3A_252] {strides = array<i32>} : memref<200x128xf32, #tpu.memory_space<vmem>>, vector<1x16xf32>,
          %swap3A_254 = vector.shape_cast %swap3A_253 : vector<1x16xf32> to vector<16xf32>
          %swap3A_255 = vector.shape_cast %get3A_250 : vector<16xf32> to vector<1x16xf32>
          tpu.vector_store %arg9[%swap3A_251, %swap3A_252], %swap3A_255 {add = true, strides = array<i32>} : memref<200x128xf32, #tpu.memory_space<vmem>>, vector<1x16xf32>,
          %get3A_256 = arith.index_cast %add3A_237 : i32 to index
          %get3A_257 = arith.constant 32 : index
          %get3A_258 = tpu.vector_load %arg6[%get3A_256, %get3A_257] {strides = array<i32>} : memref<200x128xf32, #tpu.memory_space<vmem>>, vector<1x16xf32>,
          %get3A_259 = vector.shape_cast %get3A_258 : vector<1x16xf32> to vector<16xf32>
          %swap3A_260 = arith.index_cast %add3A_237 : i32 to index
          %swap3A_261 = arith.constant 32 : index
          %swap3A_262 = tpu.vector_load %arg9[%swap3A_260, %swap3A_261] {strides = array<i32>} : memref<200x128xf32, #tpu.memory_space<vmem>>, vector<1x16xf32>,
          %swap3A_263 = vector.shape_cast %swap3A_262 : vector<1x16xf32> to vector<16xf32>
          %swap3A_264 = vector.shape_cast %get3A_259 : vector<16xf32> to vector<1x16xf32>
          tpu.vector_store %arg9[%swap3A_260, %swap3A_261], %swap3A_264 {add = true, strides = array<i32>} : memref<200x128xf32, #tpu.memory_space<vmem>>, vector<1x16xf32>,
          %get3A_265 = arith.index_cast %add3A_237 : i32 to index
          %get3A_266 = arith.constant 48 : index
          %get3A_267 = tpu.vector_load %arg6[%get3A_265, %get3A_266] {strides = array<i32>} : memref<200x128xf32, #tpu.memory_space<vmem>>, vector<1x16xf32>,
          %get3A_268 = vector.shape_cast %get3A_267 : vector<1x16xf32> to vector<16xf32>
          %swap3A_269 = arith.index_cast %add3A_237 : i32 to index
          %swap3A_270 = arith.constant 48 : index
          %swap3A_271 = tpu.vector_load %arg9[%swap3A_269, %swap3A_270] {strides = array<i32>} : memref<200x128xf32, #tpu.memory_space<vmem>>, vector<1x16xf32>,
          %swap3A_272 = vector.shape_cast %swap3A_271 : vector<1x16xf32> to vector<16xf32>
          %swap3A_273 = vector.shape_cast %get3A_268 : vector<16xf32> to vector<1x16xf32>
          tpu.vector_store %arg9[%swap3A_269, %swap3A_270], %swap3A_273 {add = true, strides = array<i32>} : memref<200x128xf32, #tpu.memory_space<vmem>>, vector<1x16xf32>,
          %get3A_274 = arith.index_cast %add3A_237 : i32 to index
          %get3A_275 = arith.constant 64 : index
          %get3A_276 = tpu.vector_load %arg6[%get3A_274, %get3A_275] {strides = array<i32>} : memref<200x128xf32, #tpu.memory_space<vmem>>, vector<1x16xf32>,
          %get3A_277 = vector.shape_cast %get3A_276 : vector<1x16xf32> to vector<16xf32>
          %swap3A_278 = arith.index_cast %add3A_237 : i32 to index
          %swap3A_279 = arith.constant 64 : index
          %swap3A_280 = tpu.vector_load %arg9[%swap3A_278, %swap3A_279] {strides = array<i32>} : memref<200x128xf32, #tpu.memory_space<vmem>>, vector<1x16xf32>,
          %swap3A_281 = vector.shape_cast %swap3A_280 : vector<1x16xf32> to vector<16xf32>
          %swap3A_282 = vector.shape_cast %get3A_277 : vector<16xf32> to vector<1x16xf32>
          tpu.vector_store %arg9[%swap3A_278, %swap3A_279], %swap3A_282 {add = true, strides = array<i32>} : memref<200x128xf32, #tpu.memory_space<vmem>>, vector<1x16xf32>,
          %get3A_283 = arith.index_cast %add3A_237 : i32 to index
          %get3A_284 = arith.constant 80 : index
          %get3A_285 = tpu.vector_load %arg6[%get3A_283, %get3A_284] {strides = array<i32>} : memref<200x128xf32, #tpu.memory_space<vmem>>, vector<1x16xf32>,
          %get3A_286 = vector.shape_cast %get3A_285 : vector<1x16xf32> to vector<16xf32>
          %swap3A_287 = arith.index_cast %add3A_237 : i32 to index
          %swap3A_288 = arith.constant 80 : index
          %swap3A_289 = tpu.vector_load %arg9[%swap3A_287, %swap3A_288] {strides = array<i32>} : memref<200x128xf32, #tpu.memory_space<vmem>>, vector<1x16xf32>,
          %swap3A_290 = vector.shape_cast %swap3A_289 : vector<1x16xf32> to vector<16xf32>
          %swap3A_291 = vector.shape_cast %get3A_286 : vector<16xf32> to vector<1x16xf32>
          tpu.vector_store %arg9[%swap3A_287, %swap3A_288], %swap3A_291 {add = true, strides = array<i32>} : memref<200x128xf32, #tpu.memory_space<vmem>>, vector<1x16xf32>,
          %get3A_292 = arith.index_cast %add3A_237 : i32 to index
          %get3A_293 = arith.constant 96 : index
          %get3A_294 = tpu.vector_load %arg6[%get3A_292, %get3A_293] {strides = array<i32>} : memref<200x128xf32, #tpu.memory_space<vmem>>, vector<1x16xf32>,
          %get3A_295 = vector.shape_cast %get3A_294 : vector<1x16xf32> to vector<16xf32>
          %swap3A_296 = arith.index_cast %add3A_237 : i32 to index
          %swap3A_297 = arith.constant 96 : index
          %swap3A_298 = tpu.vector_load %arg9[%swap3A_296, %swap3A_297] {strides = array<i32>} : memref<200x128xf32, #tpu.memory_space<vmem>>, vector<1x16xf32>,
          %swap3A_299 = vector.shape_cast %swap3A_298 : vector<1x16xf32> to vector<16xf32>
          %swap3A_300 = vector.shape_cast %get3A_295 : vector<16xf32> to vector<1x16xf32>
          tpu.vector_store %arg9[%swap3A_296, %swap3A_297], %swap3A_300 {add = true, strides = array<i32>} : memref<200x128xf32, #tpu.memory_space<vmem>>, vector<1x16xf32>,
          %get3A_301 = arith.index_cast %add3A_237 : i32 to index
          %get3A_302 = arith.constant 112 : index
          %get3A_303 = tpu.vector_load %arg6[%get3A_301, %get3A_302] {strides = array<i32>} : memref<200x128xf32, #tpu.memory_space<vmem>>, vector<1x16xf32>,
          %get3A_304 = vector.shape_cast %get3A_303 : vector<1x16xf32> to vector<16xf32>
          %swap3A_305 = arith.index_cast %add3A_237 : i32 to index
          %swap3A_306 = arith.constant 112 : index
          %swap3A_307 = tpu.vector_load %arg9[%swap3A_305, %swap3A_306] {strides = array<i32>} : memref<200x128xf32, #tpu.memory_space<vmem>>, vector<1x16xf32>,
          %swap3A_308 = vector.shape_cast %swap3A_307 : vector<1x16xf32> to vector<16xf32>
          %swap3A_309 = vector.shape_cast %get3A_304 : vector<16xf32> to vector<1x16xf32>
          tpu.vector_store %arg9[%swap3A_305, %swap3A_306], %swap3A_309 {add = true, strides = array<i32>} : memref<200x128xf32, #tpu.memory_space<vmem>>, vector<1x16xf32>,
          %mul3A_310 = arith.constant 4 : i32
          %mul3A_311 = arith.muli %scan3A_159, %mul3A_310 : i32
          %add3A_312 = arith.constant 2 : i32
          %add3A_313 = arith.addi %mul3A_311, %add3A_312 : i32
          %get3A_314 = arith.index_cast %add3A_313 : i32 to index
          %get3A_315 = arith.constant 0 : index
          %get3A_316 = tpu.vector_load %arg6[%get3A_314, %get3A_315] {strides = array<i32>} : memref<200x128xf32, #tpu.memory_space<vmem>>, vector<1x16xf32>,
          %get3A_317 = vector.shape_cast %get3A_316 : vector<1x16xf32> to vector<16xf32>
          %swap3A_318 = arith.index_cast %add3A_313 : i32 to index
          %swap3A_319 = arith.constant 0 : index
          %swap3A_320 = tpu.vector_load %arg9[%swap3A_318, %swap3A_319] {strides = array<i32>} : memref<200x128xf32, #tpu.memory_space<vmem>>, vector<1x16xf32>,
          %swap3A_321 = vector.shape_cast %swap3A_320 : vector<1x16xf32> to vector<16xf32>
          %swap3A_322 = vector.shape_cast %get3A_317 : vector<16xf32> to vector<1x16xf32>
          tpu.vector_store %arg9[%swap3A_318, %swap3A_319], %swap3A_322 {add = true, strides = array<i32>} : memref<200x128xf32, #tpu.memory_space<vmem>>, vector<1x16xf32>,
          %get3A_323 = arith.index_cast %add3A_313 : i32 to index
          %get3A_324 = arith.constant 16 : index
          %get3A_325 = tpu.vector_load %arg6[%get3A_323, %get3A_324] {strides = array<i32>} : memref<200x128xf32, #tpu.memory_space<vmem>>, vector<1x16xf32>,
          %get3A_326 = vector.shape_cast %get3A_325 : vector<1x16xf32> to vector<16xf32>
          %swap3A_327 = arith.index_cast %add3A_313 : i32 to index
          %swap3A_328 = arith.constant 16 : index
          %swap3A_329 = tpu.vector_load %arg9[%swap3A_327, %swap3A_328] {strides = array<i32>} : memref<200x128xf32, #tpu.memory_space<vmem>>, vector<1x16xf32>,
          %swap3A_330 = vector.shape_cast %swap3A_329 : vector<1x16xf32> to vector<16xf32>
          %swap3A_331 = vector.shape_cast %get3A_326 : vector<16xf32> to vector<1x16xf32>
          tpu.vector_store %arg9[%swap3A_327, %swap3A_328], %swap3A_331 {add = true, strides = array<i32>} : memref<200x128xf32, #tpu.memory_space<vmem>>, vector<1x16xf32>,
          %get3A_332 = arith.index_cast %add3A_313 : i32 to index
          %get3A_333 = arith.constant 32 : index
          %get3A_334 = tpu.vector_load %arg6[%get3A_332, %get3A_333] {strides = array<i32>} : memref<200x128xf32, #tpu.memory_space<vmem>>, vector<1x16xf32>,
          %get3A_335 = vector.shape_cast %get3A_334 : vector<1x16xf32> to vector<16xf32>
          %swap3A_336 = arith.index_cast %add3A_313 : i32 to index
          %swap3A_337 = arith.constant 32 : index
          %swap3A_338 = tpu.vector_load %arg9[%swap3A_336, %swap3A_337] {strides = array<i32>} : memref<200x128xf32, #tpu.memory_space<vmem>>, vector<1x16xf32>,
          %swap3A_339 = vector.shape_cast %swap3A_338 : vector<1x16xf32> to vector<16xf32>
          %swap3A_340 = vector.shape_cast %get3A_335 : vector<16xf32> to vector<1x16xf32>
          tpu.vector_store %arg9[%swap3A_336, %swap3A_337], %swap3A_340 {add = true, strides = array<i32>} : memref<200x128xf32, #tpu.memory_space<vmem>>, vector<1x16xf32>,
          %get3A_341 = arith.index_cast %add3A_313 : i32 to index
          %get3A_342 = arith.constant 48 : index
          %get3A_343 = tpu.vector_load %arg6[%get3A_341, %get3A_342] {strides = array<i32>} : memref<200x128xf32, #tpu.memory_space<vmem>>, vector<1x16xf32>,
          %get3A_344 = vector.shape_cast %get3A_343 : vector<1x16xf32> to vector<16xf32>
          %swap3A_345 = arith.index_cast %add3A_313 : i32 to index
          %swap3A_346 = arith.constant 48 : index
          %swap3A_347 = tpu.vector_load %arg9[%swap3A_345, %swap3A_346] {strides = array<i32>} : memref<200x128xf32, #tpu.memory_space<vmem>>, vector<1x16xf32>,
          %swap3A_348 = vector.shape_cast %swap3A_347 : vector<1x16xf32> to vector<16xf32>
          %swap3A_349 = vector.shape_cast %get3A_344 : vector<16xf32> to vector<1x16xf32>
          tpu.vector_store %arg9[%swap3A_345, %swap3A_346], %swap3A_349 {add = true, strides = array<i32>} : memref<200x128xf32, #tpu.memory_space<vmem>>, vector<1x16xf32>,
          %get3A_350 = arith.index_cast %add3A_313 : i32 to index
          %get3A_351 = arith.constant 64 : index
          %get3A_352 = tpu.vector_load %arg6[%get3A_350, %get3A_351] {strides = array<i32>} : memref<200x128xf32, #tpu.memory_space<vmem>>, vector<1x16xf32>,
          %get3A_353 = vector.shape_cast %get3A_352 : vector<1x16xf32> to vector<16xf32>
          %swap3A_354 = arith.index_cast %add3A_313 : i32 to index
          %swap3A_355 = arith.constant 64 : index
          %swap3A_356 = tpu.vector_load %arg9[%swap3A_354, %swap3A_355] {strides = array<i32>} : memref<200x128xf32, #tpu.memory_space<vmem>>, vector<1x16xf32>,
          %swap3A_357 = vector.shape_cast %swap3A_356 : vector<1x16xf32> to vector<16xf32>
          %swap3A_358 = vector.shape_cast %get3A_353 : vector<16xf32> to vector<1x16xf32>
          tpu.vector_store %arg9[%swap3A_354, %swap3A_355], %swap3A_358 {add = true, strides = array<i32>} : memref<200x128xf32, #tpu.memory_space<vmem>>, vector<1x16xf32>,
          %get3A_359 = arith.index_cast %add3A_313 : i32 to index
          %get3A_360 = arith.constant 80 : index
          %get3A_361 = tpu.vector_load %arg6[%get3A_359, %get3A_360] {strides = array<i32>} : memref<200x128xf32, #tpu.memory_space<vmem>>, vector<1x16xf32>,
          %get3A_362 = vector.shape_cast %get3A_361 : vector<1x16xf32> to vector<16xf32>
          %swap3A_363 = arith.index_cast %add3A_313 : i32 to index
          %swap3A_364 = arith.constant 80 : index
          %swap3A_365 = tpu.vector_load %arg9[%swap3A_363, %swap3A_364] {strides = array<i32>} : memref<200x128xf32, #tpu.memory_space<vmem>>, vector<1x16xf32>,
          %swap3A_366 = vector.shape_cast %swap3A_365 : vector<1x16xf32> to vector<16xf32>
          %swap3A_367 = vector.shape_cast %get3A_362 : vector<16xf32> to vector<1x16xf32>
          tpu.vector_store %arg9[%swap3A_363, %swap3A_364], %swap3A_367 {add = true, strides = array<i32>} : memref<200x128xf32, #tpu.memory_space<vmem>>, vector<1x16xf32>,
          %get3A_368 = arith.index_cast %add3A_313 : i32 to index
          %get3A_369 = arith.constant 96 : index
          %get3A_370 = tpu.vector_load %arg6[%get3A_368, %get3A_369] {strides = array<i32>} : memref<200x128xf32, #tpu.memory_space<vmem>>, vector<1x16xf32>,
          %get3A_371 = vector.shape_cast %get3A_370 : vector<1x16xf32> to vector<16xf32>
          %swap3A_372 = arith.index_cast %add3A_313 : i32 to index
          %swap3A_373 = arith.constant 96 : index
          %swap3A_374 = tpu.vector_load %arg9[%swap3A_372, %swap3A_373] {strides = array<i32>} : memref<200x128xf32, #tpu.memory_space<vmem>>, vector<1x16xf32>,
          %swap3A_375 = vector.shape_cast %swap3A_374 : vector<1x16xf32> to vector<16xf32>
          %swap3A_376 = vector.shape_cast %get3A_371 : vector<16xf32> to vector<1x16xf32>
          tpu.vector_store %arg9[%swap3A_372, %swap3A_373], %swap3A_376 {add = true, strides = array<i32>} : memref<200x128xf32, #tpu.memory_space<vmem>>, vector<1x16xf32>,
          %get3A_377 = arith.index_cast %add3A_313 : i32 to index
          %get3A_378 = arith.constant 112 : index
          %get3A_379 = tpu.vector_load %arg6[%get3A_377, %get3A_378] {strides = array<i32>} : memref<200x128xf32, #tpu.memory_space<vmem>>, vector<1x16xf32>,
          %get3A_380 = vector.shape_cast %get3A_379 : vector<1x16xf32> to vector<16xf32>
          %swap3A_381 = arith.index_cast %add3A_313 : i32 to index
          %swap3A_382 = arith.constant 112 : index
          %swap3A_383 = tpu.vector_load %arg9[%swap3A_381, %swap3A_382] {strides = array<i32>} : memref<200x128xf32, #tpu.memory_space<vmem>>, vector<1x16xf32>,
          %swap3A_384 = vector.shape_cast %swap3A_383 : vector<1x16xf32> to vector<16xf32>
          %swap3A_385 = vector.shape_cast %get3A_380 : vector<16xf32> to vector<1x16xf32>
          tpu.vector_store %arg9[%swap3A_381, %swap3A_382], %swap3A_385 {add = true, strides = array<i32>} : memref<200x128xf32, #tpu.memory_space<vmem>>, vector<1x16xf32>,
          %mul3A_386 = arith.constant 4 : i32
          %mul3A_387 = arith.muli %scan3A_159, %mul3A_386 : i32
          %add3A_388 = arith.constant 3 : i32
          %add3A_389 = arith.addi %mul3A_387, %add3A_388 : i32
          %get3A_390 = arith.index_cast %add3A_389 : i32 to index
          %get3A_391 = arith.constant 0 : index
          %get3A_392 = tpu.vector_load %arg6[%get3A_390, %get3A_391] {strides = array<i32>} : memref<200x128xf32, #tpu.memory_space<vmem>>, vector<1x16xf32>,
          %get3A_393 = vector.shape_cast %get3A_392 : vector<1x16xf32> to vector<16xf32>
          %swap3A_394 = arith.index_cast %add3A_389 : i32 to index
          %swap3A_395 = arith.constant 0 : index
          %swap3A_396 = tpu.vector_load %arg9[%swap3A_394, %swap3A_395] {strides = array<i32>} : memref<200x128xf32, #tpu.memory_space<vmem>>, vector<1x16xf32>,
          %swap3A_397 = vector.shape_cast %swap3A_396 : vector<1x16xf32> to vector<16xf32>
          %swap3A_398 = vector.shape_cast %get3A_393 : vector<16xf32> to vector<1x16xf32>
          tpu.vector_store %arg9[%swap3A_394, %swap3A_395], %swap3A_398 {add = true, strides = array<i32>} : memref<200x128xf32, #tpu.memory_space<vmem>>, vector<1x16xf32>,
          %get3A_399 = arith.index_cast %add3A_389 : i32 to index
          %get3A_400 = arith.constant 16 : index
          %get3A_401 = tpu.vector_load %arg6[%get3A_399, %get3A_400] {strides = array<i32>} : memref<200x128xf32, #tpu.memory_space<vmem>>, vector<1x16xf32>,
          %get3A_402 = vector.shape_cast %get3A_401 : vector<1x16xf32> to vector<16xf32>
          %swap3A_403 = arith.index_cast %add3A_389 : i32 to index
          %swap3A_404 = arith.constant 16 : index
          %swap3A_405 = tpu.vector_load %arg9[%swap3A_403, %swap3A_404] {strides = array<i32>} : memref<200x128xf32, #tpu.memory_space<vmem>>, vector<1x16xf32>,
          %swap3A_406 = vector.shape_cast %swap3A_405 : vector<1x16xf32> to vector<16xf32>
          %swap3A_407 = vector.shape_cast %get3A_402 : vector<16xf32> to vector<1x16xf32>
          tpu.vector_store %arg9[%swap3A_403, %swap3A_404], %swap3A_407 {add = true, strides = array<i32>} : memref<200x128xf32, #tpu.memory_space<vmem>>, vector<1x16xf32>,
          %get3A_408 = arith.index_cast %add3A_389 : i32 to index
          %get3A_409 = arith.constant 32 : index
          %get3A_410 = tpu.vector_load %arg6[%get3A_408, %get3A_409] {strides = array<i32>} : memref<200x128xf32, #tpu.memory_space<vmem>>, vector<1x16xf32>,
          %get3A_411 = vector.shape_cast %get3A_410 : vector<1x16xf32> to vector<16xf32>
          %swap3A_412 = arith.index_cast %add3A_389 : i32 to index
          %swap3A_413 = arith.constant 32 : index
          %swap3A_414 = tpu.vector_load %arg9[%swap3A_412, %swap3A_413] {strides = array<i32>} : memref<200x128xf32, #tpu.memory_space<vmem>>, vector<1x16xf32>,
          %swap3A_415 = vector.shape_cast %swap3A_414 : vector<1x16xf32> to vector<16xf32>
          %swap3A_416 = vector.shape_cast %get3A_411 : vector<16xf32> to vector<1x16xf32>
          tpu.vector_store %arg9[%swap3A_412, %swap3A_413], %swap3A_416 {add = true, strides = array<i32>} : memref<200x128xf32, #tpu.memory_space<vmem>>, vector<1x16xf32>,
          %get3A_417 = arith.index_cast %add3A_389 : i32 to index
          %get3A_418 = arith.constant 48 : index
          %get3A_419 = tpu.vector_load %arg6[%get3A_417, %get3A_418] {strides = array<i32>} : memref<200x128xf32, #tpu.memory_space<vmem>>, vector<1x16xf32>,
          %get3A_420 = vector.shape_cast %get3A_419 : vector<1x16xf32> to vector<16xf32>
          %swap3A_421 = arith.index_cast %add3A_389 : i32 to index
          %swap3A_422 = arith.constant 48 : index
          %swap3A_423 = tpu.vector_load %arg9[%swap3A_421, %swap3A_422] {strides = array<i32>} : memref<200x128xf32, #tpu.memory_space<vmem>>, vector<1x16xf32>,
          %swap3A_424 = vector.shape_cast %swap3A_423 : vector<1x16xf32> to vector<16xf32>
          %swap3A_425 = vector.shape_cast %get3A_420 : vector<16xf32> to vector<1x16xf32>
          tpu.vector_store %arg9[%swap3A_421, %swap3A_422], %swap3A_425 {add = true, strides = array<i32>} : memref<200x128xf32, #tpu.memory_space<vmem>>, vector<1x16xf32>,
          %get3A_426 = arith.index_cast %add3A_389 : i32 to index
          %get3A_427 = arith.constant 64 : index
          %get3A_428 = tpu.vector_load %arg6[%get3A_426, %get3A_427] {strides = array<i32>} : memref<200x128xf32, #tpu.memory_space<vmem>>, vector<1x16xf32>,
          %get3A_429 = vector.shape_cast %get3A_428 : vector<1x16xf32> to vector<16xf32>
          %swap3A_430 = arith.index_cast %add3A_389 : i32 to index
          %swap3A_431 = arith.constant 64 : index
          %swap3A_432 = tpu.vector_load %arg9[%swap3A_430, %swap3A_431] {strides = array<i32>} : memref<200x128xf32, #tpu.memory_space<vmem>>, vector<1x16xf32>,
          %swap3A_433 = vector.shape_cast %swap3A_432 : vector<1x16xf32> to vector<16xf32>
          %swap3A_434 = vector.shape_cast %get3A_429 : vector<16xf32> to vector<1x16xf32>
          tpu.vector_store %arg9[%swap3A_430, %swap3A_431], %swap3A_434 {add = true, strides = array<i32>} : memref<200x128xf32, #tpu.memory_space<vmem>>, vector<1x16xf32>,
          %get3A_435 = arith.index_cast %add3A_389 : i32 to index
          %get3A_436 = arith.constant 80 : index
          %get3A_437 = tpu.vector_load %arg6[%get3A_435, %get3A_436] {strides = array<i32>} : memref<200x128xf32, #tpu.memory_space<vmem>>, vector<1x16xf32>,
          %get3A_438 = vector.shape_cast %get3A_437 : vector<1x16xf32> to vector<16xf32>
          %swap3A_439 = arith.index_cast %add3A_389 : i32 to index
          %swap3A_440 = arith.constant 80 : index
          %swap3A_441 = tpu.vector_load %arg9[%swap3A_439, %swap3A_440] {strides = array<i32>} : memref<200x128xf32, #tpu.memory_space<vmem>>, vector<1x16xf32>,
          %swap3A_442 = vector.shape_cast %swap3A_441 : vector<1x16xf32> to vector<16xf32>
          %swap3A_443 = vector.shape_cast %get3A_438 : vector<16xf32> to vector<1x16xf32>
          tpu.vector_store %arg9[%swap3A_439, %swap3A_440], %swap3A_443 {add = true, strides = array<i32>} : memref<200x128xf32, #tpu.memory_space<vmem>>, vector<1x16xf32>,
          %get3A_444 = arith.index_cast %add3A_389 : i32 to index
          %get3A_445 = arith.constant 96 : index
          %get3A_446 = tpu.vector_load %arg6[%get3A_444, %get3A_445] {strides = array<i32>} : memref<200x128xf32, #tpu.memory_space<vmem>>, vector<1x16xf32>,
          %get3A_447 = vector.shape_cast %get3A_446 : vector<1x16xf32> to vector<16xf32>
          %swap3A_448 = arith.index_cast %add3A_389 : i32 to index
          %swap3A_449 = arith.constant 96 : index
          %swap3A_450 = tpu.vector_load %arg9[%swap3A_448, %swap3A_449] {strides = array<i32>} : memref<200x128xf32, #tpu.memory_space<vmem>>, vector<1x16xf32>,
          %swap3A_451 = vector.shape_cast %swap3A_450 : vector<1x16xf32> to vector<16xf32>
          %swap3A_452 = vector.shape_cast %get3A_447 : vector<16xf32> to vector<1x16xf32>
          tpu.vector_store %arg9[%swap3A_448, %swap3A_449], %swap3A_452 {add = true, strides = array<i32>} : memref<200x128xf32, #tpu.memory_space<vmem>>, vector<1x16xf32>,
          %get3A_453 = arith.index_cast %add3A_389 : i32 to index
          %get3A_454 = arith.constant 112 : index
          %get3A_455 = tpu.vector_load %arg6[%get3A_453, %get3A_454] {strides = array<i32>} : memref<200x128xf32, #tpu.memory_space<vmem>>, vector<1x16xf32>,
          %get3A_456 = vector.shape_cast %get3A_455 : vector<1x16xf32> to vector<16xf32>
          %swap3A_457 = arith.index_cast %add3A_389 : i32 to index
          %swap3A_458 = arith.constant 112 : index
          %swap3A_459 = tpu.vector_load %arg9[%swap3A_457, %swap3A_458] {strides = array<i32>} : memref<200x128xf32, #tpu.memory_space<vmem>>, vector<1x16xf32>,
          %swap3A_460 = vector.shape_cast %swap3A_459 : vector<1x16xf32> to vector<16xf32>
          %swap3A_461 = vector.shape_cast %get3A_456 : vector<16xf32> to vector<1x16xf32>
          tpu.vector_store %arg9[%swap3A_457, %swap3A_458], %swap3A_461 {add = true, strides = array<i32>} : memref<200x128xf32, #tpu.memory_space<vmem>>, vector<1x16xf32>,
        }
        %scan3A_158 = arith.constant 50 : i32
      } else {
      }
      %ge3A_133 = arith.constant 1 : i32
      %ge3A_134 = arith.cmpi sge, %add3A_115, %ge3A_133 : i32
      %lt3A_135 = arith.constant 129 : i32
      %lt3A_136 = arith.cmpi slt, %add3A_115, %lt3A_135 : i32
      %and3A_137 = arith.andi %ge3A_134, %lt3A_136 : i1
      %convert_element_type3A_138 = arith.extui %and3A_137 : i1 to i32
      %cond3A_139 = arith.constant 0 : i32
      %cond3A_140 = arith.cmpi ne, %convert_element_type3A_138, %cond3A_139 : i32
      scf.if %cond3A_140 {
        %dma_wait3A_153 = arith.constant 0 : i32
        %dma_wait3A_154 = tpu.memref_slice %arg5[%mul3A_4, %dma_wait3A_153] : memref<819200x128xf32, #tpu.memory_space<hbm>> -> memref<200x128xf32, #tpu.memory_space<hbm>>
        %dma_wait3A_155 = arith.constant 0 : i32
        %dma_wait3A_156 = tpu.memref_slice %arg5[%mul3A_4, %dma_wait3A_155] : memref<819200x128xf32, #tpu.memory_space<hbm>> -> memref<200x128xf32, #tpu.memory_space<hbm>>
        tpu.wait_dma2 semaphore(%arg18 : memref<!tpu.dma_semaphore, #tpu.memory_space<semaphore_mem>>) src(%arg8 : memref<200x128xf32, #tpu.memory_space<vmem>>) dst(%dma_wait3A_156 : memref<200x128xf32, #tpu.memory_space<hbm>>)
      } else {
      }
      %add3A_141 = arith.constant 2 : i32
      %add3A_142 = arith.addi %add3A_115, %add3A_141 : i32
      %lt3A_143 = arith.constant 128 : i32
      %lt3A_144 = arith.cmpi slt, %add3A_142, %lt3A_143 : i32
      %convert_element_type3A_145 = arith.extui %lt3A_144 : i1 to i32
      %cond3A_146 = arith.constant 0 : i32
      %cond3A_147 = arith.cmpi ne, %convert_element_type3A_145, %cond3A_146 : i32
      scf.if %cond3A_147 {
        %dma_wait3A_153 = tpu.memref_slice %arg2[%mul3A_4] : memref<819200xi32, #tpu.memory_space<hbm>> -> memref<200xi32, #tpu.memory_space<hbm>>
        %dma_wait3A_154 = tpu.memref_slice %arg2[%mul3A_4] : memref<819200xi32, #tpu.memory_space<hbm>> -> memref<200xi32, #tpu.memory_space<hbm>>
        tpu.wait_dma2 semaphore(%arg21 : memref<!tpu.dma_semaphore, #tpu.memory_space<semaphore_mem>>) src(%dma_wait3A_154 : memref<200xi32, #tpu.memory_space<hbm>>) dst(%arg11 : memref<200xi32, #tpu.memory_space<vmem>>)
        %dma_start3A_155 = arith.constant 0 : i32
        %dma_start3A_156 = arith.constant 0 : i32
        %dma_start3A_157 = tpu.memref_slice %arg13[%dma_start3A_155, %dma_start3A_156] : memref<1000x128xf32, #tpu.memory_space<vmem_shared>> -> memref<1000x128xf32, #tpu.memory_space<vmem_shared>>
        tpu.enqueue_indirect_dma source(%dma_start3A_157 : memref<1000x128xf32, #tpu.memory_space<vmem_shared>>) target(%arg8 : memref<200x128xf32, #tpu.memory_space<vmem>>) offsets(%arg11 : memref<200xi32, #tpu.memory_space<vmem>>) semaphore(%arg15 : memref<!tpu.dma_semaphore, #tpu.memory_space<semaphore_mem>>)
      } else {
      }
      %lt3A_148 = arith.constant 128 : i32
      %lt3A_149 = arith.cmpi slt, %add3A_115, %lt3A_148 : i32
      %convert_element_type3A_150 = arith.extui %lt3A_149 : i1 to i32
      %cond3A_151 = arith.constant 0 : i32
      %cond3A_152 = arith.cmpi ne, %convert_element_type3A_150, %cond3A_151 : i32
      scf.if %cond3A_152 {
        %mul3A_153 = arith.constant 200 : i32
        %mul3A_154 = arith.muli %add3A_115, %mul3A_153 : i32
        %add3A_155 = arith.addi %mul3A_4, %mul3A_154 : i32
        %dma_start3A_156 = arith.constant 0 : i32
        %dma_start3A_157 = tpu.memref_slice %arg5[%add3A_155, %dma_start3A_156] : memref<819200x128xf32, #tpu.memory_space<hbm>> -> memref<200x128xf32, #tpu.memory_space<hbm>>
        %dma_start3A_158 = arith.constant 0 : i32
        %dma_start3A_159 = tpu.memref_slice %arg5[%add3A_155, %dma_start3A_158] : memref<819200x128xf32, #tpu.memory_space<hbm>> -> memref<200x128xf32, #tpu.memory_space<hbm>>
        tpu.enqueue_dma source(%arg9 : memref<200x128xf32, #tpu.memory_space<vmem>>) target(%dma_start3A_159 : memref<200x128xf32, #tpu.memory_space<hbm>>) target_semaphore(%arg19 : memref<!tpu.dma_semaphore, #tpu.memory_space<semaphore_mem>>)
      } else {
      }
    }
    %scan3A_31 = arith.constant 43 : i32
    return
  }
}

</mosaic_0001>

<sc_bundles>
// kernel: kernel.3.cloned.1.call-start
scs
__scs_entry_jumppad:
0x0: {  	(pc) =	sbr.rel $0x88, $3  }
0x1: {  	(tag) =	ssettag $0x0;
	lr =	simm.s32 $0x1  }
0x2: {  	[smem:$0x3F9F] =	sst lr;
	_ =	strace $0xD0000000  }
0x3: {  	_ = 	snop  }
0x4: {  	_ = 	snop  }
0x5: {  	_ = 	snop  }
0x6: {  	_ = 	snop  }
0x7: {  	_ = 	snop  }
__scs_overlays_trampoline_lowered:
0x8: {  	[smem:$0x3FAE] =	sst s0  }
0x9: {  	[smem:$0x3FAF] =	sst s1  }
0xa: {  	[smem:$0x3FB0] =	sst s2  }
0xb: {  	[smem:$0x3FB1] =	sst s3  }
0xc: {  	[smem:$0x3FB2] =	sst s4  }
0xd: {  	[smem:$0x3FB3] =	sst s5  }
0xe: {  	[smem:$0x3FB4] =	sst s6  }
0xf: {  	[smem:$0x3FB5] =	sst s7  }
0x10: {  	[smem:$0x3FB6] =	sst s8  }
0x11: {  	[smem:$0x3FB7] =	sst s9;
	s0 =	simm.s32 @!p0 $0x0  }
0x12: {  	s1 =	sld [smem:$0x3F9D];
	s0 =	simm.s32 @p0 $0x1  }
0x13: {  	[smem:$0x3FB8] =	sst s0;
	s0 =	simm.s32 @!p1 $0x0  }
0x14: {  	s2 =	sld [smem:$0x3F9C];
	s0 =	simm.s32 @p1 $0x1  }
0x15: {  	[smem:$0x3FB9] =	sst s0;
	s0 =	simm.s32 @!p2 $0x0  }
0x16: {  	s3 =	sld [smem:$0x3FDB];
	s0 =	simm.s32 @p2 $0x1  }
0x17: {  	s4 =	simm.s32 $0x1BF5;
	[smem:$0x3FBB] =	sst s0  }
0x18: {  	s0 =	sld [smem:$0x3F9E];
	_ =	swait.ge [sflag:s4], $0x0  }
0x19: {  	s7 =	sld [smem:$0x3F9F]  }
0x1a: {  	s8 =	sadd.s32 $0xFFFFE003, lr  }
0x1b: {  	s9 =	sadd.s32 $0xFFFFFEF7, lr;
	s5 =	simm.s32 $0xFFFFFFFF;
	p2 =	slt.u32 s8, $0xFFFFF086  }
0x1c: {  	p1 =	slt.u32 s9, $0xF7A;
	s5 =	simm.s32 @!p2 $0x0  }
0x1d: {  	s5 =	simm.s32 @p1 $0x1;
	p0 =	seq.s32 s7, s2  }
0x1e: {  	s7 =	smul.u32 @!p0 $0xF7A, s2;
	p2 =	seq.s32 @!p0 s5, $0x0  }
0x1f: {  	s9 =	smul.u32 $0xF7A, s1;
	s8 =	simm.s32 @!p0 $0x1BF5;
	p2 =	por !p2, p0  }
0x20: {  	[sflag:s8] =	ssyncset.s32 @!p0 $0xFFFFF086;
	s6 =	sadd.s32 @!p0 s3, s7;
	s7 =	simm.s32 @!p0 $0x108  }
0x21: {  	s3 =	sadd.s32 s3, s9;
	s6 =	sadd.s32 @!p0 $0x88, s6;
	s7 =	simm.s32 @p2 $0x1082  }
0x22: {  	[simem:s7], [sflag:s8] =	dma.local @!p0 [hbm:s6], $0xF7A  }
0x23: {  	s9 =	sor.u32 $0xD0000000, s2;
	s6 =	simm.s32 $0x108;
	_ =	swait.ge @!p0 [sflag:s8], $0x0  }
0x24: {  	s3 =	sadd.s32 $0x88, s3;
	s6 =	simm.s32 @!p1 $0x1082;
	[sflag:s4] =	ssyncset.s32 $0xFFFFF086  }
0x25: {  	[simem:s6], [sflag:s4] =	dma.local [hbm:s3], $0xF7A  }
0x26: {  	[smem:$0x3F9F] =	sst s1;
	(tag) =	ssettag s2;
	_ =	strace s9  }
0x27: {  	s1 =	sld [smem:$0x3FAF]  }
0x28: {  	s2 =	sld [smem:$0x3FB0]  }
0x29: {  	s4 =	sld [smem:$0x3FB2]  }
0x2a: {  	p0 =	seq.s32 s5, $0x0;
	s5 =	sld [smem:$0x3FB3]  }
0x2b: {  	s6 =	sld [smem:$0x3FB4]  }
0x2c: {  	s7 =	sld [smem:$0x3FB5]  }
0x2d: {  	s3 =	simm.s32 $0x108;
	s8 =	sld [smem:$0x3FB6]  }
0x2e: {  	s3 =	simm.s32 @!p0 $0x1082;
	s9 =	sld [smem:$0x3FB7]  }
0x2f: {  	lr =	sadd.s32 s0, s3;
	s0 =	sld [smem:$0x3FAE]  }
0x30: {  	s3 =	sld [smem:$0x3FB1]  }
0x31: {  	[smem:$0x3FBA] =	sst s10  }
0x32: {  	s10 =	sld [smem:$0x3FB8];
	_ =	sdelay $0x3  }
0x33: {  	p0 =	seq.s32 s10, $0x1;
	s10 =	sld [smem:$0x3FBA];
	_ =	sdelay $0x3  }
0x34: {  	[smem:$0x3FBA] =	sst s10  }
0x35: {  	s10 =	sld [smem:$0x3FB9];
	_ =	sdelay $0x3  }
0x36: {  	p1 =	seq.s32 s10, $0x1;
	s10 =	sld [smem:$0x3FBA];
	_ =	sdelay $0x3  }
0x37: {  	[smem:$0x3FBA] =	sst s10  }
0x38: {  	s10 =	sld [smem:$0x3FBB]  }
0x39: {  	_ = 	snop;
	(pc) =	sbr.ind lr, $3  }
0x3a: {  	_ = 	snop  }
0x3b: {  	_ = 	snop  }
0x3c: {  	p2 =	seq.s32 s10, $0x1;
	s10 =	sld [smem:$0x3FBA]  }
0x3d: {  	_ =	shalt  }
0x3e: {  	_ =	shalt  }
0x3f: {  	_ =	shalt  }
0x40: {  	_ =	shalt  }
0x41: {  	_ =	shalt  }
0x42: {  	_ =	shalt  }
0x43: {  	_ =	shalt  }
0x44: {  	_ =	shalt  }
0x45: {  	_ =	shalt  }
0x46: {  	_ =	shalt  }
0x47: {  	_ =	shalt  }
0x48: {  	_ =	shalt  }
0x49: {  	_ =	shalt  }
0x4a: {  	_ =	shalt  }
0x4b: {  	_ =	shalt  }
0x4c: {  	_ =	shalt  }
0x4d: {  	_ =	shalt  }
0x4e: {  	_ =	shalt  }
0x4f: {  	_ =	shalt  }
0x50: {  	_ =	shalt  }
0x51: {  	_ =	shalt  }
0x52: {  	_ =	shalt  }
0x53: {  	_ =	shalt  }
0x54: {  	_ =	shalt  }
0x55: {  	_ =	shalt  }
0x56: {  	_ =	shalt  }
0x57: {  	_ =	shalt  }
0x58: {  	_ =	shalt  }
0x59: {  	_ =	shalt  }
0x5a: {  	_ =	shalt  }
0x5b: {  	_ =	shalt  }
0x5c: {  	_ =	shalt  }
0x5d: {  	_ =	shalt  }
0x5e: {  	_ =	shalt  }
0x5f: {  	_ =	shalt  }
0x60: {  	_ =	shalt  }
0x61: {  	_ =	shalt  }
0x62: {  	_ =	shalt  }
0x63: {  	_ =	shalt  }
0x64: {  	_ =	shalt  }
0x65: {  	_ =	shalt  }
0x66: {  	_ =	shalt  }
0x67: {  	_ =	shalt  }
0x68: {  	_ =	shalt  }
0x69: {  	_ =	shalt  }
0x6a: {  	_ =	shalt  }
0x6b: {  	_ =	shalt  }
0x6c: {  	_ =	shalt  }
0x6d: {  	_ =	shalt  }
0x6e: {  	_ =	shalt  }
0x6f: {  	_ =	shalt  }
0x70: {  	_ =	shalt  }
0x71: {  	_ =	shalt  }
0x72: {  	_ =	shalt  }
0x73: {  	_ =	shalt  }
0x74: {  	_ =	shalt  }
0x75: {  	_ =	shalt  }
0x76: {  	_ =	shalt  }
0x77: {  	_ =	shalt  }
0x78: {  	_ =	shalt  }
0x79: {  	_ =	shalt  }
0x7a: {  	_ =	shalt  }
0x7b: {  	_ =	shalt  }
0x7c: {  	_ =	shalt  }
0x7d: {  	_ =	shalt  }
0x7e: {  	_ =	shalt  }
0x7f: {  	_ =	shalt  }
0x80: {  	_ =	shalt  }
0x81: {  	_ =	shalt  }
0x82: {  	_ =	shalt  }
0x83: {  	_ =	shalt  }
0x84: {  	_ =	shalt  }
0x85: {  	_ =	shalt  }
0x86: {  	_ =	shalt  }
0x87: {  	_ =	shalt  }
.Lfunc_end0:
.L_simem_size_0:
called_computation_lowered:
.L_overlay_start_0:
0x88: {  	s2 =	sld [smem:$0x3FD9]  }
0x89: {  	s3 =	sld [smem:$0x3FFE];
	_ =	sdelay $0x1  }
0x8a: {  	s1 =	srdreg.scid  }
0x8b: {  	s0 =	sand.u32 $0x1, s1  }
0x8c: {  	s17 =	sshll.u32 s0, $0xA;
	s2 =	sadd.s32 s3, s2  }
0x8d: {  	s2 =	sadd.s32 s2, s17  }
0x8e: {  	[smem:$0x3FC6] =	sst s2  }
0x8f: {  	_ = 	snop  }
0x90: {  	s2 =	sld [smem:$0x3FC8]  }
0x91: {  	s18 =	sld [smem:$0x3FD0];
	(tm) =	ssettm $0x1  }
0x92: {  	s4 =	sld [smem:$0x3FFB];
	_ =	sdelay $0x3  }
0x93: {  	_ =	strace s4  }
0x94: {  	s4 =	sld [smem:$0x3FFC];
	_ =	sdelay $0x3  }
0x95: {  	_ =	strace s4  }
0x96: {  	s4 =	sld [smem:$0x3FFD];
	_ =	sdelay $0x3  }
0x97: {  	_ =	strace s4  }
0x98: {  	_ =	strace $0x8FFFFFFF  }
0x99: {  	s19 =	sld [smem:$0x3FDB];
	_ =	sdelay $0x1  }
0x9a: {  	s5 =	simm.s32 $_scs_section_size  }
0x9b: {  	s6 =	simm.s32 $_size__tile_overlayer_lowered;
	s7 =	simm.s32 $_tile_overlayer_lowered  }
0x9c: {  	s22 =	simm.s32 $0x1BFF;
	s21 =	sshll.u32 s7, $0x1;
	s4 =	sadd.s32 s5, s19  }
0x9d: {  	s8 =	simm.s32 $0x0;
	s20 =	sshll.u32 s6, $0x1;
	s6 =	sadd.s32 s21, s4  }
0x9e: {  	[timem:s8], [sflag:s22] =	dma.local [hbm:s6], s20  }
0x9f: {  	_ =	swait.ge [sflag:s22], s20  }
0xa0: {  	s5 =	ssub.s32 $0x0, s20;
	[sflag:s22] =	ssyncset.done $0x0  }
0xa1: {  	[sflag:s22] =	ssyncadd.s32 s5;
	_ =	sdelay $0x1  }
0xa2: {  	s23 =	simm.s32 $0x1B8B  }
0xa3: {  	_ =	swait.ge [sflag:s23], $0x1  }
0xa4: {  	[sflag:s23] =	ssyncset.done $0x0  }
0xa5: {  	s25 =	simm.s32 $0x1B8E;
	s24 =	sld [smem:$0x3FFE];
	[sflag:s23] =	ssyncadd.s32 $0xFFFFFFFF  }
0xa6: {  	s26 =	simm.s32 $execute0_lowered;
	[smem:$0x3FD2] =	sst s25  }
0xa7: {  	s6 =	sshll.u32 s26, $0x1;
	_ =	strace $0x80000046;
	[dreg:$0x1] =	wrdreg $0xFFFFFFFF  }
0xa8: {  	s28 =	simm.s32 $_size_execute0_lowered;
	s4 =	sadd.s32 s4, s6;
	[dreg:$0x0] =	wrdreg $0x0  }
0xa9: {  	s6 =	sshll.u32 s28, $0x1;
	[dreg:$0x2] =	wrdreg s4  }
0xaa: {  	[dreg:$0x3] =	wrdreg s6  }
0xab: {  	[dreg:$0x4] =	wrdreg $0xC0  }
0xac: {  	_ =	task [dreg:s8], $0x5FFFF  }
0xad: {  	[dreg:$0x1] =	wrdreg $0xFFFFFFFF  }
0xae: {  	[dreg:$0x0] =	wrdreg $0x60  }
0xaf: {  	[dreg:$0x2] =	wrdreg s24  }
0xb0: {  	[dreg:$0x3] =	wrdreg s2  }
0xb1: {  	[dreg:$0x4] =	wrdreg s18  }
0xb2: {  	[dreg:$0x5] =	wrdreg $0x193000  }
0xb3: {  	[dreg:$0x6] =	wrdreg $0x9  }
0xb4: {  	_ =	task.clear_ibuf [dreg:s8], $0x7FFFF;
	_ =	strace $0x90000046  }
0xb5: {  	s29 =	simm.s32 $0x9;
	_ =	strace $0x80000048  }
0xb6: {  	_ =	swait.ge [sflag:s29], $0x1  }
0xb7: {  	[sflag:s29] =	ssyncadd.s32 $0xFFFFFFFF  }
0xb8: {  	_ =	strace $0x90000048  }
0xb9: {  	_ =	sfence  }
0xba: {  	s30 =	sld [smem:$0x0];
	_ =	sdelay $0x2  }
0xbb: {  	s31 =	sshll.u32 s1, $0xD;
	s1 =	sshrl.u32 s1, $0x2  }
0xbc: {  	s3 =	sand.u32 $0x4000, s31;
	s1 =	sadd.s32 s1, s30  }
0xbd: {  	s0 =	sor.u32 s3, s0;
	s1 =	sshll.u32 s1, $0x11  }
0xbe: {  	s0 =	sor.u32 s1, s0  }
0xbf: {  	s0 =	sadd.s32 $0x8F2B, s0  }
0xc0: {  	[sflag:s0] =	ssyncadd.remote.s32 $0x1  }
0xc1: {  	_ =	sfence.sel $0xFFFF  }
0xc2: {  	[dreg:$0x0] =	wrdreg $0xFFFFFFFF;
	(pc) =	sbr.abs _section_cstart, $3  }
0xc3: {  	[dreg:$0x1] =	wrdreg $0xFFFFFFFF  }
0xc4: {  	_ =	task.clear_ibuf [dreg:s8], $0x2FFFF;
	_ =	strace $0x9FFFFFFF  }
0xc5: {  	(tm) =	ssettm $0x7FFFFFFF  }
tec
execute0_lowered:
.L_overlay_start_1:
0x0: {  	(tag) =	ssettag $0x1  }
0x1: {  	s0 =	rddreg [dreg:$0x0]  }
0x2: {  	s1 =	rddreg [dreg:$0x2];
	s2 =	srdreg.scid  }
0x3: {  	s7 =	stileid.u32;
	s3 =	rddreg [dreg:$0x3];
	s4 =	simm.s32 $0x0  }
0x4: {  	s19 =	simm.s32 $0xA;
	s20 =	simm.s32 $0x19000;
	s21 =	simm.s32 $0x19100  }
0x5: {  	s28 =	simm.s32 $0xC800;
	s29 =	simm.s32 $0x1;
	s30 =	simm.s32 $0x2  }
0x6: {  	s31 =	simm.s32 $0x4;
	s22 =	simm.s32 $0x12C00;
	s16 =	simm.s32 $0x0  }
0x7: {  	s2 =	sand.u32 $0x1, s2;
	s5 =	sshll.u32 s7, $0x1;
	[smem:$0x7FF] =	sst s4  }
0x8: {  	s6 =	sadd.s32 $0x1400, s0;
	s0 =	sadd.s32 $0x600, s0;
	p0 =	sne.s32 s7, $0x0  }
0x9: {  	s9 =	sor.u32 s2, s5;
	_ =	strace $0x80000047;
	s2 =	ssub.s32 $0x2, s2  }
0xa: {  	[dreg:$0x5] =	wrdreg s0;
	s5 =	smul.u32 $0x6400, s9;
	s23 =	sshrl.u32 s2, $0x1  }
0xb: {  	s25 =	smul.u32 $0x64000, s9;
	s0 =	ssub.s32 s2, s23;
	s23 =	simm.s32 $0x7  }
0xc: {  	s8 =	sshrl.u32 s5, $0x3;
	s11 =	sor.u32 $0x258, s5;
	s12 =	sor.u32 $0x320, s5  }
0xd: {  	s13 =	sor.u32 $0xC8, s5;
	s14 =	sor.u32 $0x3E8, s5;
	s2 =	sadd.s32 s25, s1  }
0xe: {  	s15 =	sor.u32 $0x190, s5;
	s0 =	smax.u32 s0, $0x1;
	s25 =	simm.s32 $0x6400  }
.Ltmp0:
0xf: {  	s2 =	sadd.s32 $0x63380, s2;
	[dreg:$0x9] =	wrdreg s0;
	(pc) =	sbr.rel .LBB2_1-.Ltmp0, $4  }
0x10: {  	s8 =	sadd.s32 s6, s8;
	s0 =	sshrl.u32 @!p0 s3, $0x3;
	[dreg:$0x8] =	wrdreg s2  }
0x11: {  	s24 =	sadd.s32 $0x19, s8;
	s26 =	sadd.s32 $0x32, s8;
	[dreg:$0xa] =	wrdreg s0  }
0x12: {  	s2 =	simm.s32 $0x5;
	s0 =	simm.s32 $0x3;
	[dreg:$0x6] =	wrdreg s24  }
0x13: {  	[dreg:$0x7] =	wrdreg s26;
	s24 =	simm.s32 $0xC8;
	s26 =	simm.s32 $0x8  }
.LBB2_12:
0x14: {  	s7 =	rddreg [dreg:$0x8]  }
0x15: {  	[hbm4b:s7+s4] =	stream.linear.scatter [tilespmem:s28], [sflag:$0x5], $0x6400, $0x38;
	[tilespmem:$0x1B240] =	vst v63  }
0x16: {  	_ =	swait.ge [sflag:s2], $0x6400  }
0x17: {  	[sflag:s2] =	ssyncset.done $0x0  }
0x18: {  	[sflag:s2] =	ssyncadd.s32 $0xFFFF9C00  }
.LBB2_10:
0x19: {  	s16 =	sadd.s32 $0x1, s16;
	s7 =	rddreg [dreg:$0x9]  }
0x1a: {  	p1 =	sne.s32 s16, s7  }
.Ltmp1:
0x1b: {  	_ = 	snop;
	(pc) =	sbr.rel @!p1 .LBB2_11-.Ltmp1, $1  }
0x1c: {  	_ =	sdelay $0x3  }
.LBB2_1:
0x1d: {  	s9 =	rddreg [dreg:$0x1]  }
0x1e: {  	s7 =	simm.s32 @!p0 $0x1C0A;
	s10 =	rddreg [dreg:$0xa]  }
0x1f: {  	[spmem:s10], [sflag:s7] =	dma.local @!p0 [hbm:s9], $0x3E80  }
0x20: {  	s7 =	simm.s32 @!p0 $0xA  }
0x21: {  	_ =	swait.ge @!p0 [sflag:s7], $0x3E80  }
0x22: {  	[sflag:s7] =	ssyncset.done @!p0 $0x0  }
0x23: {  	s9 =	rddreg [dreg:$0x5];
	[sflag:s7] =	ssyncadd.s32 @!p0 $0xFFFFC180  }
0x24: {  	[tilespmem:s4], [sflag:$0xA] =	stream.linear.gather [hbm4b:s9+s4], $0x6400, $0x38;
	[tilespmem:$0x1B240] =	vst v63  }
0x25: {  	_ =	swait.ge [sflag:s19], $0x6400  }
0x26: {  	[sflag:s19] =	ssyncset.done $0x0  }
0x27: {  	[sflag:s19] =	ssyncadd.s32 $0xFFFF9C00  }
0x28: {  	[bflag:$0x0] =	sbarrier.arrive $0xFFFF  }
0x29: {  	[tilespmem:s20], [sflag:$0x7] =	stream.linear.gather [hbm4b:s8+s4], $0xC8, $0x38;
	[tilespmem:$0x1B240] =	vst v63  }
0x2a: {  	s10 =	rddreg [dreg:$0x6]  }
0x2b: {  	[tilespmem:s21], [sflag:$0x8] =	stream.linear.gather [hbm4b:s10+s4], $0xC8, $0x38;
	[tilespmem:$0x1B240] =	vst v63  }
0x2c: {  	s18 =	simm.s32 $0x19200;
	s17 =	rddreg [dreg:$0x7]  }
0x2d: {  	[tilespmem:s18], [sflag:$0x9] =	stream.linear.gather [hbm4b:s17+s4], $0xC8, $0x38;
	[tilespmem:$0x1B240] =	vst v63  }
0x2e: {  	_ =	swait.ge [sflag:s23], $0xC8  }
0x2f: {  	[sflag:s23] =	ssyncset.done $0x0  }
0x30: {  	[sflag:s23] =	ssyncadd.s32 $0xFFFFFF38  }
0x31: {  	[tilespmem:s25], [sflag:$0x1] =	stream.indirect.gather [spmem:s3], $0x80, s20, s24, $0xb8;
	[tilespmem:$0x1B240] =	vst v63  }
0x32: {  	_ =	swait.ge [sflag:s26], $0xC8  }
0x33: {  	[sflag:s26] =	ssyncset.done $0x0  }
0x34: {  	s7 =	simm.s32 $0x0;
	[sflag:s26] =	ssyncadd.s32 $0xFFFFFF38  }
0x35: {  	[tilespmem:s28], [sflag:$0x2] =	stream.indirect.gather [spmem:s3], $0x80, s21, s24, $0xb8;
	[tilespmem:$0x1B240] =	vst v63  }
.LBB2_2:
0x36: {  	p1 =	seq.s32 s7, $0x2A  }
0x37: {  	s9 =	smul.u32 @!p1 $0x258, s7;
	_ =	sdelay $0x1  }
0x38: {  	_ =	swait.ge [sflag:s29], $0x6400;
	s9 =	sadd.s32 @!p1 s9, s11  }
0x39: {  	[sflag:s29] =	ssyncset.done $0x0;
	s10 =	simm.s32 @!p1 $0x0;
	s9 =	sshrl.u32 @!p1 s9, $0x3  }
0x3a: {  	s17 =	simm.s32 @!p1 $0x19000;
	[sflag:s29] =	ssyncadd.s32 $0xFFFF9C00;
	s9 =	sadd.s32 @!p1 s6, s9  }
0x3b: {  	[tilespmem:s17], [sflag:$0x7] =	stream.linear.gather @!p1 [hbm4b:s9+s10], $0xC8, $0x38;
	[tilespmem:$0x1B240] =	vst v63  }
0x3c: {  	s10 =	smul.u32 $0x3, s7;
	s9 =	simm.s32 $0x0;
	s17 =	simm.s32 $0x800  }
.LBB2_3:
0x3d: {  	p2 =	sne.s32 s17, $0x18800;
	v0 =	vld [tilespmem:s9+$0x1F0]  }
0x3e: {  	v1 =	vld [tilespmem:s9+$0x0]  }
0x3f: {  	v2 =	vld [tilespmem:s9+$0x10]  }
0x40: {  	v3 =	vld [tilespmem:s9+$0x20]  }
0x41: {  	v4 =	vld [tilespmem:s9+$0x30]  }
0x42: {  	[tilespmem:s9+$0x65F0] =	vst.add.f32.msk $0xffff, v0  }
0x43: {  	v0 =	vld [tilespmem:s9+$0x40]  }
0x44: {  	v5 =	vld [tilespmem:s9+$0x50]  }
0x45: {  	v6 =	vld [tilespmem:s9+$0x60]  }
0x46: {  	v7 =	vld [tilespmem:s9+$0x70]  }
0x47: {  	v8 =	vld [tilespmem:s9+$0x80]  }
0x48: {  	v9 =	vld [tilespmem:s9+$0x90]  }
0x49: {  	v10 =	vld [tilespmem:s9+$0xA0]  }
0x4a: {  	v11 =	vld [tilespmem:s9+$0xB0]  }
0x4b: {  	v12 =	vld [tilespmem:s9+$0xC0]  }
0x4c: {  	v13 =	vld [tilespmem:s9+$0xD0]  }
0x4d: {  	v14 =	vld [tilespmem:s9+$0xE0]  }
0x4e: {  	v15 =	vld [tilespmem:s9+$0xF0]  }
0x4f: {  	v16 =	vld [tilespmem:s9+$0x100]  }
0x50: {  	v17 =	vld [tilespmem:s9+$0x110]  }
0x51: {  	v18 =	vld [tilespmem:s9+$0x120]  }
0x52: {  	v19 =	vld [tilespmem:s9+$0x130]  }
0x53: {  	v20 =	vld [tilespmem:s9+$0x140]  }
0x54: {  	v21 =	vld [tilespmem:s9+$0x150]  }
0x55: {  	v22 =	vld [tilespmem:s9+$0x160]  }
0x56: {  	v23 =	vld [tilespmem:s9+$0x170]  }
0x57: {  	v24 =	vld [tilespmem:s9+$0x180]  }
0x58: {  	v25 =	vld [tilespmem:s9+$0x190]  }
0x59: {  	v26 =	vld [tilespmem:s9+$0x1A0]  }
0x5a: {  	v27 =	vld [tilespmem:s9+$0x1B0]  }
0x5b: {  	v28 =	vld [tilespmem:s9+$0x1C0]  }
0x5c: {  	v29 =	vld [tilespmem:s9+$0x1D0]  }
0x5d: {  	v30 =	vld [tilespmem:s9+$0x1E0]  }
0x5e: {  	[tilespmem:s9+$0x6400] =	vst.add.f32.msk $0xffff, v1  }
0x5f: {  	[tilespmem:s9+$0x6410] =	vst.add.f32.msk $0xffff, v2  }
0x60: {  	[tilespmem:s9+$0x6420] =	vst.add.f32.msk $0xffff, v3  }
0x61: {  	[tilespmem:s9+$0x6430] =	vst.add.f32.msk $0xffff, v4  }
0x62: {  	[tilespmem:s9+$0x6440] =	vst.add.f32.msk $0xffff, v0  }
0x63: {  	[tilespmem:s9+$0x6450] =	vst.add.f32.msk $0xffff, v5  }
0x64: {  	[tilespmem:s9+$0x6460] =	vst.add.f32.msk $0xffff, v6  }
0x65: {  	[tilespmem:s9+$0x6470] =	vst.add.f32.msk $0xffff, v7  }
0x66: {  	[tilespmem:s9+$0x6480] =	vst.add.f32.msk $0xffff, v8  }
0x67: {  	[tilespmem:s9+$0x6490] =	vst.add.f32.msk $0xffff, v9  }
0x68: {  	[tilespmem:s9+$0x64A0] =	vst.add.f32.msk $0xffff, v10  }
0x69: {  	[tilespmem:s9+$0x64B0] =	vst.add.f32.msk $0xffff, v11  }
0x6a: {  	[tilespmem:s9+$0x64C0] =	vst.add.f32.msk $0xffff, v12  }
0x6b: {  	[tilespmem:s9+$0x64D0] =	vst.add.f32.msk $0xffff, v13  }
0x6c: {  	[tilespmem:s9+$0x64E0] =	vst.add.f32.msk $0xffff, v14  }
0x6d: {  	[tilespmem:s9+$0x64F0] =	vst.add.f32.msk $0xffff, v15  }
0x6e: {  	[tilespmem:s9+$0x6500] =	vst.add.f32.msk $0xffff, v16  }
0x6f: {  	[tilespmem:s9+$0x6510] =	vst.add.f32.msk $0xffff, v17  }
0x70: {  	[tilespmem:s9+$0x6520] =	vst.add.f32.msk $0xffff, v18  }
0x71: {  	[tilespmem:s9+$0x6530] =	vst.add.f32.msk $0xffff, v19  }
0x72: {  	[tilespmem:s9+$0x6540] =	vst.add.f32.msk $0xffff, v20  }
0x73: {  	[tilespmem:s9+$0x6550] =	vst.add.f32.msk $0xffff, v21  }
0x74: {  	[tilespmem:s9+$0x6560] =	vst.add.f32.msk $0xffff, v22  }
0x75: {  	[tilespmem:s9+$0x6570] =	vst.add.f32.msk $0xffff, v23  }
0x76: {  	[tilespmem:s9+$0x6580] =	vst.add.f32.msk $0xffff, v24  }
0x77: {  	[tilespmem:s9+$0x6590] =	vst.add.f32.msk $0xffff, v25  }
.Ltmp2:
0x78: {  	[tilespmem:s9+$0x65A0] =	vst.add.f32.msk $0xffff, v26;
	(pc) =	sbr.rel @p2 .LBB2_3-.Ltmp2, $4  }
0x79: {  	[tilespmem:s9+$0x65B0] =	vst.add.f32.msk $0xffff, v27  }
0x7a: {  	[tilespmem:s9+$0x65C0] =	vst.add.f32.msk $0xffff, v28  }
0x7b: {  	[tilespmem:s9+$0x65D0] =	vst.add.f32.msk $0xffff, v29  }
0x7c: {  	[tilespmem:s9+$0x65E0] =	vst.add.f32.msk $0xffff, v30;
	s9 =	sshra.s32 s17, $0x2;
	s17 =	sadd.s32 $0x800, s17  }
0x7d: {  	v0 =	vld [tilespmem:s9+$0x1F0]  }
0x7e: {  	v1 =	vld [tilespmem:s9+$0x0]  }
0x7f: {  	v2 =	vld [tilespmem:s9+$0x10]  }
0x80: {  	v3 =	vld [tilespmem:s9+$0x20]  }
0x81: {  	v4 =	vld [tilespmem:s9+$0x30]  }
0x82: {  	v63 =	vld [tilespmem:s9+$0x40]  }
0x83: {  	v5 =	vld [tilespmem:s9+$0x50]  }
0x84: {  	v6 =	vld [tilespmem:s9+$0x60]  }
0x85: {  	v7 =	vld [tilespmem:s9+$0x70]  }
0x86: {  	v8 =	vld [tilespmem:s9+$0x80]  }
0x87: {  	v9 =	vld [tilespmem:s9+$0x90]  }
0x88: {  	v10 =	vld [tilespmem:s9+$0xA0]  }
0x89: {  	v11 =	vld [tilespmem:s9+$0xB0]  }
0x8a: {  	v12 =	vld [tilespmem:s9+$0xC0]  }
0x8b: {  	v13 =	vld [tilespmem:s9+$0xD0]  }
0x8c: {  	v14 =	vld [tilespmem:s9+$0xE0]  }
0x8d: {  	v15 =	vld [tilespmem:s9+$0xF0]  }
0x8e: {  	v16 =	vld [tilespmem:s9+$0x100]  }
0x8f: {  	v17 =	vld [tilespmem:s9+$0x110]  }
0x90: {  	v18 =	vld [tilespmem:s9+$0x120]  }
0x91: {  	v19 =	vld [tilespmem:s9+$0x130]  }
0x92: {  	v20 =	vld [tilespmem:s9+$0x140]  }
0x93: {  	v21 =	vld [tilespmem:s9+$0x150]  }
0x94: {  	v22 =	vld [tilespmem:s9+$0x160]  }
0x95: {  	v23 =	vld [tilespmem:s9+$0x170]  }
0x96: {  	v24 =	vld [tilespmem:s9+$0x180]  }
0x97: {  	v25 =	vld [tilespmem:s9+$0x190]  }
0x98: {  	v26 =	vld [tilespmem:s9+$0x1A0]  }
0x99: {  	v27 =	vld [tilespmem:s9+$0x1B0]  }
0x9a: {  	v28 =	vld [tilespmem:s9+$0x1C0]  }
0x9b: {  	v29 =	vld [tilespmem:s9+$0x1D0]  }
0x9c: {  	v30 =	vld [tilespmem:s9+$0x1E0]  }
0x9d: {  	[tilespmem:s9+$0x65F0] =	vst.add.f32.msk $0xffff, v0  }
0x9e: {  	[tilespmem:s9+$0x6400] =	vst.add.f32.msk $0xffff, v1  }
0x9f: {  	[tilespmem:s9+$0x6410] =	vst.add.f32.msk $0xffff, v2  }
0xa0: {  	[tilespmem:s9+$0x6420] =	vst.add.f32.msk $0xffff, v3  }
0xa1: {  	[tilespmem:s9+$0x6430] =	vst.add.f32.msk $0xffff, v4  }
0xa2: {  	[tilespmem:s9+$0x6440] =	vst.add.f32.msk $0xffff, v63  }
0xa3: {  	[tilespmem:s9+$0x6450] =	vst.add.f32.msk $0xffff, v5  }
0xa4: {  	[tilespmem:s9+$0x6460] =	vst.add.f32.msk $0xffff, v6  }
0xa5: {  	[tilespmem:s9+$0x6470] =	vst.add.f32.msk $0xffff, v7  }
0xa6: {  	[tilespmem:s9+$0x6480] =	vst.add.f32.msk $0xffff, v8  }
0xa7: {  	[tilespmem:s9+$0x6490] =	vst.add.f32.msk $0xffff, v9  }
0xa8: {  	[tilespmem:s9+$0x64A0] =	vst.add.f32.msk $0xffff, v10  }
0xa9: {  	[tilespmem:s9+$0x64B0] =	vst.add.f32.msk $0xffff, v11  }
0xaa: {  	[tilespmem:s9+$0x64C0] =	vst.add.f32.msk $0xffff, v12  }
0xab: {  	[tilespmem:s9+$0x64D0] =	vst.add.f32.msk $0xffff, v13  }
0xac: {  	[tilespmem:s9+$0x64E0] =	vst.add.f32.msk $0xffff, v14  }
0xad: {  	[tilespmem:s9+$0x64F0] =	vst.add.f32.msk $0xffff, v15  }
0xae: {  	[tilespmem:s9+$0x6500] =	vst.add.f32.msk $0xffff, v16  }
0xaf: {  	[tilespmem:s9+$0x6510] =	vst.add.f32.msk $0xffff, v17  }
0xb0: {  	[tilespmem:s9+$0x6520] =	vst.add.f32.msk $0xffff, v18  }
0xb1: {  	[tilespmem:s9+$0x6530] =	vst.add.f32.msk $0xffff, v19  }
0xb2: {  	[tilespmem:s9+$0x6540] =	vst.add.f32.msk $0xffff, v20  }
0xb3: {  	[tilespmem:s9+$0x6550] =	vst.add.f32.msk $0xffff, v21  }
0xb4: {  	[tilespmem:s9+$0x6560] =	vst.add.f32.msk $0xffff, v22  }
0xb5: {  	[tilespmem:s9+$0x6570] =	vst.add.f32.msk $0xffff, v23  }
0xb6: {  	[tilespmem:s9+$0x6580] =	vst.add.f32.msk $0xffff, v24  }
0xb7: {  	[tilespmem:s9+$0x6590] =	vst.add.f32.msk $0xffff, v25  }
0xb8: {  	[tilespmem:s9+$0x65A0] =	vst.add.f32.msk $0xffff, v26  }
0xb9: {  	[tilespmem:s9+$0x65B0] =	vst.add.f32.msk $0xffff, v27  }
0xba: {  	s10 =	sadd.s32 $0xFFFFFFFF, s10;
	[tilespmem:s9+$0x65C0] =	vst.add.f32.msk $0xffff, v28  }
0xbb: {  	p2 =	sgt.u32 s10, $0x7F;
	[tilespmem:s9+$0x65D0] =	vst.add.f32.msk $0xffff, v29  }
0xbc: {  	[tilespmem:s9+$0x65E0] =	vst.add.f32.msk $0xffff, v30;
	s9 =	simm.s32 @!p2 $0x6  }
0xbd: {  	_ =	swait.ge @!p2 [sflag:s9], $0x6400  }
0xbe: {  	[sflag:s9] =	ssyncset.done @!p2 $0x0  }
0xbf: {  	[sflag:s9] =	ssyncadd.s32 @!p2 $0xFFFF9C00;
	s9 =	simm.s32 @!p1 $0x9  }
0xc0: {  	_ =	swait.ge @!p1 [sflag:s9], $0xC8  }
0xc1: {  	s17 =	simm.s32 @!p1 $0x19200;
	s18 =	simm.s32 @!p1 $0x12C00;
	[sflag:s9] =	ssyncset.done @!p1 $0x0  }
0xc2: {  	s10 =	simm.s32 @!p1 $0xC8;
	[sflag:s9] =	ssyncadd.s32 @!p1 $0xFFFFFF38;
	s9 =	smul.u32 $0x258, s7  }
0xc3: {  	[tilespmem:s18], [sflag:$0x3] =	stream.indirect.gather @!p1 [spmem:s3], $0x80, s17, s10, $0xb8;
	[tilespmem:$0x1B240] =	vst v63  }
0xc4: {  	s18 =	sadd.s32 s5, s9  }
0xc5: {  	s10 =	sshll.u32 s18, $0x4  }
0xc6: {  	s10 =	sadd.s32 s1, s10  }
0xc7: {  	[hbm4b:s10+s4] =	stream.linear.scatter [tilespmem:s25], [sflag:$0x4], $0x6400, $0x38;
	[tilespmem:$0x1B240] =	vst v63  }
0xc8: {  	s10 =	sadd.s32 @!p1 s9, s12;
	_ =	swait.ge [sflag:s30], $0x6400  }
0xc9: {  	s17 =	simm.s32 @!p1 $0x0;
	s10 =	sshrl.u32 @!p1 s10, $0x3;
	[sflag:s30] =	ssyncset.done $0x0  }
0xca: {  	s18 =	simm.s32 @!p1 $0x19100;
	s10 =	sadd.s32 @!p1 s6, s10;
	[sflag:s30] =	ssyncadd.s32 $0xFFFF9C00  }
0xcb: {  	[tilespmem:s18], [sflag:$0x8] =	stream.linear.gather @!p1 [hbm4b:s10+s17], $0xC8, $0x38;
	[tilespmem:$0x1B240] =	vst v63  }
0xcc: {  	s10 =	simm.s32 $0x0;
	s17 =	simm.s32 $0x800  }
.LBB2_5:
0xcd: {  	p2 =	sne.s32 s17, $0x18800;
	v0 =	vld [tilespmem:s10+$0x1F0]  }
0xce: {  	v1 =	vld [tilespmem:s10+$0x0]  }
0xcf: {  	v2 =	vld [tilespmem:s10+$0x10]  }
0xd0: {  	v3 =	vld [tilespmem:s10+$0x20]  }
0xd1: {  	v4 =	vld [tilespmem:s10+$0x30]  }
0xd2: {  	[tilespmem:s10+$0xC9F0] =	vst.add.f32.msk $0xffff, v0  }
0xd3: {  	v0 =	vld [tilespmem:s10+$0x40]  }
0xd4: {  	v5 =	vld [tilespmem:s10+$0x50]  }
0xd5: {  	v6 =	vld [tilespmem:s10+$0x60]  }
0xd6: {  	v7 =	vld [tilespmem:s10+$0x70]  }
0xd7: {  	v8 =	vld [tilespmem:s10+$0x80]  }
0xd8: {  	v9 =	vld [tilespmem:s10+$0x90]  }
0xd9: {  	v10 =	vld [tilespmem:s10+$0xA0]  }
0xda: {  	v11 =	vld [tilespmem:s10+$0xB0]  }
0xdb: {  	v12 =	vld [tilespmem:s10+$0xC0]  }
0xdc: {  	v13 =	vld [tilespmem:s10+$0xD0]  }
0xdd: {  	v14 =	vld [tilespmem:s10+$0xE0]  }
0xde: {  	v15 =	vld [tilespmem:s10+$0xF0]  }
0xdf: {  	v16 =	vld [tilespmem:s10+$0x100]  }
0xe0: {  	v17 =	vld [tilespmem:s10+$0x110]  }
0xe1: {  	v18 =	vld [tilespmem:s10+$0x120]  }
0xe2: {  	v19 =	vld [tilespmem:s10+$0x130]  }
0xe3: {  	v20 =	vld [tilespmem:s10+$0x140]  }
0xe4: {  	v21 =	vld [tilespmem:s10+$0x150]  }
0xe5: {  	v22 =	vld [tilespmem:s10+$0x160]  }
0xe6: {  	v23 =	vld [tilespmem:s10+$0x170]  }
0xe7: {  	v24 =	vld [tilespmem:s10+$0x180]  }
0xe8: {  	v25 =	vld [tilespmem:s10+$0x190]  }
0xe9: {  	v26 =	vld [tilespmem:s10+$0x1A0]  }
0xea: {  	v27 =	vld [tilespmem:s10+$0x1B0]  }
0xeb: {  	v28 =	vld [tilespmem:s10+$0x1C0]  }
0xec: {  	v29 =	vld [tilespmem:s10+$0x1D0]  }
0xed: {  	v30 =	vld [tilespmem:s10+$0x1E0]  }
0xee: {  	[tilespmem:s10+$0xC800] =	vst.add.f32.msk $0xffff, v1  }
0xef: {  	[tilespmem:s10+$0xC810] =	vst.add.f32.msk $0xffff, v2  }
0xf0: {  	[tilespmem:s10+$0xC820] =	vst.add.f32.msk $0xffff, v3  }
0xf1: {  	[tilespmem:s10+$0xC830] =	vst.add.f32.msk $0xffff, v4  }
0xf2: {  	[tilespmem:s10+$0xC840] =	vst.add.f32.msk $0xffff, v0  }
0xf3: {  	[tilespmem:s10+$0xC850] =	vst.add.f32.msk $0xffff, v5  }
0xf4: {  	[tilespmem:s10+$0xC860] =	vst.add.f32.msk $0xffff, v6  }
0xf5: {  	[tilespmem:s10+$0xC870] =	vst.add.f32.msk $0xffff, v7  }
0xf6: {  	[tilespmem:s10+$0xC880] =	vst.add.f32.msk $0xffff, v8  }
0xf7: {  	[tilespmem:s10+$0xC890] =	vst.add.f32.msk $0xffff, v9  }
0xf8: {  	[tilespmem:s10+$0xC8A0] =	vst.add.f32.msk $0xffff, v10  }
0xf9: {  	[tilespmem:s10+$0xC8B0] =	vst.add.f32.msk $0xffff, v11  }
0xfa: {  	[tilespmem:s10+$0xC8C0] =	vst.add.f32.msk $0xffff, v12  }
0xfb: {  	[tilespmem:s10+$0xC8D0] =	vst.add.f32.msk $0xffff, v13  }
0xfc: {  	[tilespmem:s10+$0xC8E0] =	vst.add.f32.msk $0xffff, v14  }
0xfd: {  	[tilespmem:s10+$0xC8F0] =	vst.add.f32.msk $0xffff, v15  }
0xfe: {  	[tilespmem:s10+$0xC900] =	vst.add.f32.msk $0xffff, v16  }
0xff: {  	[tilespmem:s10+$0xC910] =	vst.add.f32.msk $0xffff, v17  }
0x100: {  	[tilespmem:s10+$0xC920] =	vst.add.f32.msk $0xffff, v18  }
0x101: {  	[tilespmem:s10+$0xC930] =	vst.add.f32.msk $0xffff, v19  }
0x102: {  	[tilespmem:s10+$0xC940] =	vst.add.f32.msk $0xffff, v20  }
0x103: {  	[tilespmem:s10+$0xC950] =	vst.add.f32.msk $0xffff, v21  }
0x104: {  	[tilespmem:s10+$0xC960] =	vst.add.f32.msk $0xffff, v22  }
0x105: {  	[tilespmem:s10+$0xC970] =	vst.add.f32.msk $0xffff, v23  }
0x106: {  	[tilespmem:s10+$0xC980] =	vst.add.f32.msk $0xffff, v24  }
0x107: {  	[tilespmem:s10+$0xC990] =	vst.add.f32.msk $0xffff, v25  }
.Ltmp3:
0x108: {  	[tilespmem:s10+$0xC9A0] =	vst.add.f32.msk $0xffff, v26;
	(pc) =	sbr.rel @p2 .LBB2_5-.Ltmp3, $4  }
0x109: {  	[tilespmem:s10+$0xC9B0] =	vst.add.f32.msk $0xffff, v27  }
0x10a: {  	[tilespmem:s10+$0xC9C0] =	vst.add.f32.msk $0xffff, v28  }
0x10b: {  	[tilespmem:s10+$0xC9D0] =	vst.add.f32.msk $0xffff, v29  }
0x10c: {  	[tilespmem:s10+$0xC9E0] =	vst.add.f32.msk $0xffff, v30;
	s10 =	sshra.s32 s17, $0x2;
	s17 =	sadd.s32 $0x800, s17  }
0x10d: {  	v0 =	vld [tilespmem:s10+$0x1F0]  }
0x10e: {  	v1 =	vld [tilespmem:s10+$0x0]  }
0x10f: {  	v2 =	vld [tilespmem:s10+$0x10]  }
0x110: {  	v3 =	vld [tilespmem:s10+$0x20]  }
0x111: {  	v4 =	vld [tilespmem:s10+$0x30]  }
0x112: {  	v63 =	vld [tilespmem:s10+$0x40]  }
0x113: {  	v5 =	vld [tilespmem:s10+$0x50]  }
0x114: {  	v6 =	vld [tilespmem:s10+$0x60]  }
0x115: {  	v7 =	vld [tilespmem:s10+$0x70]  }
0x116: {  	v8 =	vld [tilespmem:s10+$0x80]  }
0x117: {  	v9 =	vld [tilespmem:s10+$0x90]  }
0x118: {  	v10 =	vld [tilespmem:s10+$0xA0]  }
0x119: {  	v11 =	vld [tilespmem:s10+$0xB0]  }
0x11a: {  	v12 =	vld [tilespmem:s10+$0xC0]  }
0x11b: {  	v13 =	vld [tilespmem:s10+$0xD0]  }
0x11c: {  	v14 =	vld [tilespmem:s10+$0xE0]  }
0x11d: {  	v15 =	vld [tilespmem:s10+$0xF0]  }
0x11e: {  	v16 =	vld [tilespmem:s10+$0x100]  }
0x11f: {  	v17 =	vld [tilespmem:s10+$0x110]  }
0x120: {  	v18 =	vld [tilespmem:s10+$0x120]  }
0x121: {  	v19 =	vld [tilespmem:s10+$0x130]  }
0x122: {  	v20 =	vld [tilespmem:s10+$0x140]  }
0x123: {  	v21 =	vld [tilespmem:s10+$0x150]  }
0x124: {  	v22 =	vld [tilespmem:s10+$0x160]  }
0x125: {  	v23 =	vld [tilespmem:s10+$0x170]  }
0x126: {  	v24 =	vld [tilespmem:s10+$0x180]  }
0x127: {  	v25 =	vld [tilespmem:s10+$0x190]  }
0x128: {  	v26 =	vld [tilespmem:s10+$0x1A0]  }
0x129: {  	v27 =	vld [tilespmem:s10+$0x1B0]  }
0x12a: {  	v28 =	vld [tilespmem:s10+$0x1C0]  }
0x12b: {  	v29 =	vld [tilespmem:s10+$0x1D0]  }
0x12c: {  	v30 =	vld [tilespmem:s10+$0x1E0]  }
0x12d: {  	[tilespmem:s10+$0xC9F0] =	vst.add.f32.msk $0xffff, v0  }
0x12e: {  	[tilespmem:s10+$0xC800] =	vst.add.f32.msk $0xffff, v1  }
0x12f: {  	[tilespmem:s10+$0xC810] =	vst.add.f32.msk $0xffff, v2  }
0x130: {  	[tilespmem:s10+$0xC820] =	vst.add.f32.msk $0xffff, v3  }
0x131: {  	[tilespmem:s10+$0xC830] =	vst.add.f32.msk $0xffff, v4  }
0x132: {  	[tilespmem:s10+$0xC840] =	vst.add.f32.msk $0xffff, v63  }
0x133: {  	[tilespmem:s10+$0xC850] =	vst.add.f32.msk $0xffff, v5  }
0x134: {  	[tilespmem:s10+$0xC860] =	vst.add.f32.msk $0xffff, v6  }
0x135: {  	[tilespmem:s10+$0xC870] =	vst.add.f32.msk $0xffff, v7  }
0x136: {  	[tilespmem:s10+$0xC880] =	vst.add.f32.msk $0xffff, v8  }
0x137: {  	[tilespmem:s10+$0xC890] =	vst.add.f32.msk $0xffff, v9  }
0x138: {  	[tilespmem:s10+$0xC8A0] =	vst.add.f32.msk $0xffff, v10  }
0x139: {  	[tilespmem:s10+$0xC8B0] =	vst.add.f32.msk $0xffff, v11  }
0x13a: {  	[tilespmem:s10+$0xC8C0] =	vst.add.f32.msk $0xffff, v12  }
0x13b: {  	[tilespmem:s10+$0xC8D0] =	vst.add.f32.msk $0xffff, v13  }
0x13c: {  	[tilespmem:s10+$0xC8E0] =	vst.add.f32.msk $0xffff, v14  }
0x13d: {  	[tilespmem:s10+$0xC8F0] =	vst.add.f32.msk $0xffff, v15  }
0x13e: {  	[tilespmem:s10+$0xC900] =	vst.add.f32.msk $0xffff, v16  }
0x13f: {  	[tilespmem:s10+$0xC910] =	vst.add.f32.msk $0xffff, v17  }
0x140: {  	[tilespmem:s10+$0xC920] =	vst.add.f32.msk $0xffff, v18  }
0x141: {  	[tilespmem:s10+$0xC930] =	vst.add.f32.msk $0xffff, v19  }
0x142: {  	[tilespmem:s10+$0xC940] =	vst.add.f32.msk $0xffff, v20  }
0x143: {  	[tilespmem:s10+$0xC950] =	vst.add.f32.msk $0xffff, v21  }
0x144: {  	[tilespmem:s10+$0xC960] =	vst.add.f32.msk $0xffff, v22  }
0x145: {  	[tilespmem:s10+$0xC970] =	vst.add.f32.msk $0xffff, v23  }
0x146: {  	[tilespmem:s10+$0xC980] =	vst.add.f32.msk $0xffff, v24  }
0x147: {  	[tilespmem:s10+$0xC990] =	vst.add.f32.msk $0xffff, v25  }
0x148: {  	[tilespmem:s10+$0xC9A0] =	vst.add.f32.msk $0xffff, v26  }
0x149: {  	[tilespmem:s10+$0xC9B0] =	vst.add.f32.msk $0xffff, v27  }
0x14a: {  	[tilespmem:s10+$0xC9C0] =	vst.add.f32.msk $0xffff, v28  }
.Ltmp4:
0x14b: {  	[tilespmem:s10+$0xC9D0] =	vst.add.f32.msk $0xffff, v29;
	(pc) =	sbr.rel @p1 .LBB2_12-.Ltmp4, $4  }
0x14c: {  	[tilespmem:s10+$0xC9E0] =	vst.add.f32.msk $0xffff, v30  }
0x14d: {  	_ =	swait.ge [sflag:s31], $0x6400  }
0x14e: {  	[sflag:s31] =	ssyncset.done $0x0  }
0x14f: {  	[sflag:s31] =	ssyncadd.s32 $0xFFFF9C00  }
0x150: {  	_ =	swait.ge [sflag:s23], $0xC8  }
0x151: {  	s10 =	sadd.s32 s9, s13;
	[sflag:s23] =	ssyncset.done $0x0  }
0x152: {  	s10 =	sshll.u32 s10, $0x4;
	[sflag:s23] =	ssyncadd.s32 $0xFFFFFF38  }
0x153: {  	[tilespmem:s25], [sflag:$0x1] =	stream.indirect.gather [spmem:s3], $0x80, s20, s24, $0xb8;
	[tilespmem:$0x1B240] =	vst v63  }
0x154: {  	p1 =	slt.u32 s7, $0x29;
	s10 =	sadd.s32 s1, s10  }
0x155: {  	[hbm4b:s10+s4] =	stream.linear.scatter [tilespmem:s28], [sflag:$0x5], $0x6400, $0x38;
	[tilespmem:$0x1B240] =	vst v63  }
0x156: {  	s10 =	sadd.s32 @p1 s9, s14;
	_ =	swait.ge [sflag:s0], $0x6400  }
0x157: {  	s17 =	simm.s32 @p1 $0x0;
	s10 =	sshrl.u32 @p1 s10, $0x3;
	[sflag:s0] =	ssyncset.done $0x0  }
0x158: {  	s18 =	simm.s32 @p1 $0x19200;
	s10 =	sadd.s32 @p1 s6, s10;
	[sflag:s0] =	ssyncadd.s32 $0xFFFF9C00  }
0x159: {  	[tilespmem:s18], [sflag:$0x9] =	stream.linear.gather @p1 [hbm4b:s10+s17], $0xC8, $0x38;
	[tilespmem:$0x1B240] =	vst v63  }
0x15a: {  	s10 =	simm.s32 $0x0;
	s17 =	simm.s32 $0x800  }
.LBB2_8:
0x15b: {  	p1 =	sne.s32 s17, $0x18800;
	v0 =	vld [tilespmem:s10+$0x1F0]  }
0x15c: {  	v1 =	vld [tilespmem:s10+$0x0]  }
0x15d: {  	v2 =	vld [tilespmem:s10+$0x10]  }
0x15e: {  	v3 =	vld [tilespmem:s10+$0x20]  }
0x15f: {  	v4 =	vld [tilespmem:s10+$0x30]  }
0x160: {  	[tilespmem:s10+$0x12DF0] =	vst.add.f32.msk $0xffff, v0  }
0x161: {  	v0 =	vld [tilespmem:s10+$0x40]  }
0x162: {  	v5 =	vld [tilespmem:s10+$0x50]  }
0x163: {  	v6 =	vld [tilespmem:s10+$0x60]  }
0x164: {  	v7 =	vld [tilespmem:s10+$0x70]  }
0x165: {  	v8 =	vld [tilespmem:s10+$0x80]  }
0x166: {  	v9 =	vld [tilespmem:s10+$0x90]  }
0x167: {  	v10 =	vld [tilespmem:s10+$0xA0]  }
0x168: {  	v11 =	vld [tilespmem:s10+$0xB0]  }
0x169: {  	v12 =	vld [tilespmem:s10+$0xC0]  }
0x16a: {  	v13 =	vld [tilespmem:s10+$0xD0]  }
0x16b: {  	v14 =	vld [tilespmem:s10+$0xE0]  }
0x16c: {  	v15 =	vld [tilespmem:s10+$0xF0]  }
0x16d: {  	v16 =	vld [tilespmem:s10+$0x100]  }
0x16e: {  	v17 =	vld [tilespmem:s10+$0x110]  }
0x16f: {  	v18 =	vld [tilespmem:s10+$0x120]  }
0x170: {  	v19 =	vld [tilespmem:s10+$0x130]  }
0x171: {  	v20 =	vld [tilespmem:s10+$0x140]  }
0x172: {  	v21 =	vld [tilespmem:s10+$0x150]  }
0x173: {  	v22 =	vld [tilespmem:s10+$0x160]  }
0x174: {  	v23 =	vld [tilespmem:s10+$0x170]  }
0x175: {  	v24 =	vld [tilespmem:s10+$0x180]  }
0x176: {  	v25 =	vld [tilespmem:s10+$0x190]  }
0x177: {  	v26 =	vld [tilespmem:s10+$0x1A0]  }
0x178: {  	v27 =	vld [tilespmem:s10+$0x1B0]  }
0x179: {  	v28 =	vld [tilespmem:s10+$0x1C0]  }
0x17a: {  	v29 =	vld [tilespmem:s10+$0x1D0]  }
0x17b: {  	v30 =	vld [tilespmem:s10+$0x1E0]  }
0x17c: {  	[tilespmem:s10+$0x12C00] =	vst.add.f32.msk $0xffff, v1  }
0x17d: {  	[tilespmem:s10+$0x12C10] =	vst.add.f32.msk $0xffff, v2  }
0x17e: {  	[tilespmem:s10+$0x12C20] =	vst.add.f32.msk $0xffff, v3  }
0x17f: {  	[tilespmem:s10+$0x12C30] =	vst.add.f32.msk $0xffff, v4  }
0x180: {  	[tilespmem:s10+$0x12C40] =	vst.add.f32.msk $0xffff, v0  }
0x181: {  	[tilespmem:s10+$0x12C50] =	vst.add.f32.msk $0xffff, v5  }
0x182: {  	[tilespmem:s10+$0x12C60] =	vst.add.f32.msk $0xffff, v6  }
0x183: {  	[tilespmem:s10+$0x12C70] =	vst.add.f32.msk $0xffff, v7  }
0x184: {  	[tilespmem:s10+$0x12C80] =	vst.add.f32.msk $0xffff, v8  }
0x185: {  	[tilespmem:s10+$0x12C90] =	vst.add.f32.msk $0xffff, v9  }
0x186: {  	[tilespmem:s10+$0x12CA0] =	vst.add.f32.msk $0xffff, v10  }
0x187: {  	[tilespmem:s10+$0x12CB0] =	vst.add.f32.msk $0xffff, v11  }
0x188: {  	[tilespmem:s10+$0x12CC0] =	vst.add.f32.msk $0xffff, v12  }
0x189: {  	[tilespmem:s10+$0x12CD0] =	vst.add.f32.msk $0xffff, v13  }
0x18a: {  	[tilespmem:s10+$0x12CE0] =	vst.add.f32.msk $0xffff, v14  }
0x18b: {  	[tilespmem:s10+$0x12CF0] =	vst.add.f32.msk $0xffff, v15  }
0x18c: {  	[tilespmem:s10+$0x12D00] =	vst.add.f32.msk $0xffff, v16  }
0x18d: {  	[tilespmem:s10+$0x12D10] =	vst.add.f32.msk $0xffff, v17  }
0x18e: {  	[tilespmem:s10+$0x12D20] =	vst.add.f32.msk $0xffff, v18  }
0x18f: {  	[tilespmem:s10+$0x12D30] =	vst.add.f32.msk $0xffff, v19  }
0x190: {  	[tilespmem:s10+$0x12D40] =	vst.add.f32.msk $0xffff, v20  }
0x191: {  	[tilespmem:s10+$0x12D50] =	vst.add.f32.msk $0xffff, v21  }
0x192: {  	[tilespmem:s10+$0x12D60] =	vst.add.f32.msk $0xffff, v22  }
0x193: {  	[tilespmem:s10+$0x12D70] =	vst.add.f32.msk $0xffff, v23  }
0x194: {  	[tilespmem:s10+$0x12D80] =	vst.add.f32.msk $0xffff, v24  }
0x195: {  	[tilespmem:s10+$0x12D90] =	vst.add.f32.msk $0xffff, v25  }
.Ltmp5:
0x196: {  	[tilespmem:s10+$0x12DA0] =	vst.add.f32.msk $0xffff, v26;
	(pc) =	sbr.rel @p1 .LBB2_8-.Ltmp5, $4  }
0x197: {  	[tilespmem:s10+$0x12DB0] =	vst.add.f32.msk $0xffff, v27  }
0x198: {  	[tilespmem:s10+$0x12DC0] =	vst.add.f32.msk $0xffff, v28  }
0x199: {  	[tilespmem:s10+$0x12DD0] =	vst.add.f32.msk $0xffff, v29  }
0x19a: {  	[tilespmem:s10+$0x12DE0] =	vst.add.f32.msk $0xffff, v30;
	s10 =	sshra.s32 s17, $0x2;
	s17 =	sadd.s32 $0x800, s17  }
0x19b: {  	v0 =	vld [tilespmem:s10+$0x1F0]  }
0x19c: {  	v1 =	vld [tilespmem:s10+$0x0]  }
0x19d: {  	v2 =	vld [tilespmem:s10+$0x10]  }
0x19e: {  	v3 =	vld [tilespmem:s10+$0x20]  }
0x19f: {  	v4 =	vld [tilespmem:s10+$0x30]  }
0x1a0: {  	v63 =	vld [tilespmem:s10+$0x40]  }
0x1a1: {  	v5 =	vld [tilespmem:s10+$0x50]  }
0x1a2: {  	v6 =	vld [tilespmem:s10+$0x60]  }
0x1a3: {  	v7 =	vld [tilespmem:s10+$0x70]  }
0x1a4: {  	v8 =	vld [tilespmem:s10+$0x80]  }
0x1a5: {  	v9 =	vld [tilespmem:s10+$0x90]  }
0x1a6: {  	v10 =	vld [tilespmem:s10+$0xA0]  }
0x1a7: {  	v11 =	vld [tilespmem:s10+$0xB0]  }
0x1a8: {  	v12 =	vld [tilespmem:s10+$0xC0]  }
0x1a9: {  	v13 =	vld [tilespmem:s10+$0xD0]  }
0x1aa: {  	v14 =	vld [tilespmem:s10+$0xE0]  }
0x1ab: {  	v15 =	vld [tilespmem:s10+$0xF0]  }
0x1ac: {  	v16 =	vld [tilespmem:s10+$0x100]  }
0x1ad: {  	v17 =	vld [tilespmem:s10+$0x110]  }
0x1ae: {  	v18 =	vld [tilespmem:s10+$0x120]  }
0x1af: {  	v19 =	vld [tilespmem:s10+$0x130]  }
0x1b0: {  	v20 =	vld [tilespmem:s10+$0x140]  }
0x1b1: {  	v21 =	vld [tilespmem:s10+$0x150]  }
0x1b2: {  	v22 =	vld [tilespmem:s10+$0x160]  }
0x1b3: {  	v23 =	vld [tilespmem:s10+$0x170]  }
0x1b4: {  	v24 =	vld [tilespmem:s10+$0x180]  }
0x1b5: {  	v25 =	vld [tilespmem:s10+$0x190]  }
0x1b6: {  	v26 =	vld [tilespmem:s10+$0x1A0]  }
0x1b7: {  	v27 =	vld [tilespmem:s10+$0x1B0]  }
0x1b8: {  	v28 =	vld [tilespmem:s10+$0x1C0]  }
0x1b9: {  	v29 =	vld [tilespmem:s10+$0x1D0]  }
0x1ba: {  	v30 =	vld [tilespmem:s10+$0x1E0]  }
0x1bb: {  	[tilespmem:s10+$0x12DF0] =	vst.add.f32.msk $0xffff, v0  }
0x1bc: {  	[tilespmem:s10+$0x12C00] =	vst.add.f32.msk $0xffff, v1  }
0x1bd: {  	[tilespmem:s10+$0x12C10] =	vst.add.f32.msk $0xffff, v2  }
0x1be: {  	[tilespmem:s10+$0x12C20] =	vst.add.f32.msk $0xffff, v3  }
0x1bf: {  	[tilespmem:s10+$0x12C30] =	vst.add.f32.msk $0xffff, v4  }
0x1c0: {  	[tilespmem:s10+$0x12C40] =	vst.add.f32.msk $0xffff, v63  }
0x1c1: {  	[tilespmem:s10+$0x12C50] =	vst.add.f32.msk $0xffff, v5  }
0x1c2: {  	[tilespmem:s10+$0x12C60] =	vst.add.f32.msk $0xffff, v6  }
0x1c3: {  	[tilespmem:s10+$0x12C70] =	vst.add.f32.msk $0xffff, v7  }
0x1c4: {  	[tilespmem:s10+$0x12C80] =	vst.add.f32.msk $0xffff, v8  }
0x1c5: {  	[tilespmem:s10+$0x12C90] =	vst.add.f32.msk $0xffff, v9  }
0x1c6: {  	[tilespmem:s10+$0x12CA0] =	vst.add.f32.msk $0xffff, v10  }
0x1c7: {  	[tilespmem:s10+$0x12CB0] =	vst.add.f32.msk $0xffff, v11  }
0x1c8: {  	[tilespmem:s10+$0x12CC0] =	vst.add.f32.msk $0xffff, v12  }
0x1c9: {  	[tilespmem:s10+$0x12CD0] =	vst.add.f32.msk $0xffff, v13  }
0x1ca: {  	[tilespmem:s10+$0x12CE0] =	vst.add.f32.msk $0xffff, v14  }
0x1cb: {  	[tilespmem:s10+$0x12CF0] =	vst.add.f32.msk $0xffff, v15  }
0x1cc: {  	[tilespmem:s10+$0x12D00] =	vst.add.f32.msk $0xffff, v16  }
0x1cd: {  	[tilespmem:s10+$0x12D10] =	vst.add.f32.msk $0xffff, v17  }
0x1ce: {  	[tilespmem:s10+$0x12D20] =	vst.add.f32.msk $0xffff, v18  }
0x1cf: {  	[tilespmem:s10+$0x12D30] =	vst.add.f32.msk $0xffff, v19  }
0x1d0: {  	[tilespmem:s10+$0x12D40] =	vst.add.f32.msk $0xffff, v20  }
0x1d1: {  	[tilespmem:s10+$0x12D50] =	vst.add.f32.msk $0xffff, v21  }
0x1d2: {  	[tilespmem:s10+$0x12D60] =	vst.add.f32.msk $0xffff, v22  }
0x1d3: {  	[tilespmem:s10+$0x12D70] =	vst.add.f32.msk $0xffff, v23  }
0x1d4: {  	[tilespmem:s10+$0x12D80] =	vst.add.f32.msk $0xffff, v24  }
0x1d5: {  	[tilespmem:s10+$0x12D90] =	vst.add.f32.msk $0xffff, v25  }
0x1d6: {  	[tilespmem:s10+$0x12DA0] =	vst.add.f32.msk $0xffff, v26  }
0x1d7: {  	[tilespmem:s10+$0x12DB0] =	vst.add.f32.msk $0xffff, v27  }
0x1d8: {  	[tilespmem:s10+$0x12DC0] =	vst.add.f32.msk $0xffff, v28  }
0x1d9: {  	[tilespmem:s10+$0x12DD0] =	vst.add.f32.msk $0xffff, v29  }
0x1da: {  	[tilespmem:s10+$0x12DE0] =	vst.add.f32.msk $0xffff, v30  }
0x1db: {  	_ =	swait.ge [sflag:s2], $0x6400  }
0x1dc: {  	[sflag:s2] =	ssyncset.done $0x0  }
0x1dd: {  	s7 =	sadd.s32 $0x1, s7;
	[sflag:s2] =	ssyncadd.s32 $0xFFFF9C00  }
0x1de: {  	p1 =	sne.s32 s7, $0x2B;
	_ =	swait.ge [sflag:s26], $0xC8  }
.Ltmp6:
0x1df: {  	s9 =	sadd.s32 s9, s15;
	[sflag:s26] =	ssyncset.done $0x0;
	(pc) =	sbr.rel @p1 .LBB2_2-.Ltmp6, $4  }
.Ltmp7:
0x1e0: {  	s9 =	sshll.u32 s9, $0x4;
	[sflag:s26] =	ssyncadd.s32 $0xFFFFFF38;
	(pc) =	sbr.rel @!p1 .LBB2_10-.Ltmp7, $4  }
0x1e1: {  	[tilespmem:s28], [sflag:$0x2] =	stream.indirect.gather [spmem:s3], $0x80, s21, s24, $0xb8;
	[tilespmem:$0x1B240] =	vst v63  }
0x1e2: {  	s9 =	sadd.s32 s1, s9  }
0x1e3: {  	[hbm4b:s9+s4] =	stream.linear.scatter [tilespmem:s22], [sflag:$0x6], $0x6400, $0x38;
	[tilespmem:$0x1B240] =	vst v63  }
0x1e4: {  	_ = 	snop  }
.LBB2_11:
0x1e5: {  	_ =	sfence.sel $0x180000  }
0x1e6: {  	[bflag:$0x0] =	sbarrier.arrive $0xFFFF  }
0x1e7: {  	_ =	strace $0x90000047  }
0x1e8: {  	[bflag:$0x2] =	sbarrier.arrive $0xFFFF  }
0x1e9: {  	s0 =	rddreg [dreg:$0x4]  }
0x1ea: {  	s0 =	sadd.s32 @!p0 $0x100000, s0  }
0x1eb: {  	[sflag:s0] =	ssyncadd.tile.s32 @!p0 $0x1;
	_ =	shalt  }
.Lfunc_end2:
_tile_overlayer_lowered:
.L_overlay_start_2:
0x1ec: {  	(tag) =	ssettag $0x2  }
0x1ed: {  	s0 =	rddreg [dreg:$0x0];
	s2 =	stileid.u32  }
0x1ee: {  	s1 =	rddreg [dreg:$0x1];
	p0 =	sne.s32 s2, $0x0  }
0x1ef: {  	s3 =	rddreg [dreg:$0x2];
	[bflag:$0x3] =	sbarrier.arrive $0xFFFF;
	s2 =	simm.s32 @!p0 $0x1C0A  }
0x1f0: {  	[timem:s3], [sflag:s2] =	dma.local @!p0 [hbm:s0], s1  }
0x1f1: {  	s0 =	simm.s32 @!p0 $0xA  }
0x1f2: {  	_ =	swait.ge @!p0 [sflag:s0], s1  }
0x1f3: {  	s1 =	ssub.s32 @!p0 $0x0, s1;
	[sflag:s0] =	ssyncset.done @!p0 $0x0  }
0x1f4: {  	[sflag:s0] =	ssyncadd.s32 @!p0 s1  }
0x1f5: {  	[bflag:$0x3] =	sbarrier.arrive $0xFFFF  }
0x1f6: {  	_ =	shalt  }

</sc_bundles>
